<compile_context>
chip_gen: v7x
topology: tpu7x:2x2x1
jax: 0.10.2.dev20260603
libtpu: 0.0.44.dev20260713+nightly
codegen_flags: <defaults>
</compile_context>

<pallas_src>
import jax
import jax.numpy as jnp
from jax import lax
import jax.experimental.pallas as pl
from jax.experimental.pallas import tpu as pltpu
from jax.experimental.pallas import tpu_sc as plsc

_MAX_NODES = 2048
_N_INIT = 32
_STEPS = 5
_OBS = 64
_ACT = 16
_B = 32
_N = _N_INIT * (2 ** _STEPS)
_INIT_SLAB = 2 * _N_INIT
_NTILES = 32
_QPW = _N // _NTILES


def _sc_routing_body(wdiv_hbm, uid_hbm, par_hbm, pow_hbm,
                     wdiv_v, R_v, uid_v, par_v, pow_v):
    i32 = jnp.int32
    f32 = jnp.float32
    wid = lax.axis_index("c") * 16 + lax.axis_index("s")
    base = wid * _QPW
    pltpu.sync_copy(wdiv_hbm, wdiv_v)
    run = jnp.zeros((), i32)
    for b in range(_N_INIT // 16):
        x = wdiv_v[pl.ds(16 * b, 16)]
        sig = 1.0 / (1.0 + jnp.exp(-x))
        d = jnp.where(sig > 0.5, 1, 0).astype(i32)
        excl = plsc.cumsum(d) - d + run
        run = run + jnp.sum(d)
        rootid = lax.iota(i32, 16) + 16 * b
        R_v[pl.ds(16 * b, 16)] = jnp.zeros((16,), i32)
        plsc.store_scatter(R_v, [excl], rootid, mask=d > 0)
    g = run
    gsafe = jnp.maximum(g, 1)
    for b in range(_QPW // 16):
        q = lax.iota(i32, 16) + (base + 16 * b)
        m = q % gsafe
        Rm = plsc.load_gather(R_v, [m])
        pow2 = jnp.zeros((16,), i32)
        for s in range(1, _STEPS + 1):
            lo = ((2 ** (s - 1)) - 1) * g
            hi = ((2 ** s) - 1) * g
            pow2 = jnp.where((q >= lo) & (q < hi), 2 ** (s - 1), pow2)
        k = q - (pow2 - 1) * g
        par = jnp.where(k < g, Rm, (q + _N_INIT) - pow2 * g)
        born = pow2 > 0
        par = jnp.where(born, par, 0)
        uid = jnp.where(born, Rm, 0)
        uid_v[pl.ds(16 * b, 16)] = uid.astype(f32)
        par_v[pl.ds(16 * b, 16)] = par.astype(f32)
        pow_v[pl.ds(16 * b, 16)] = pow2.astype(f32)
    pltpu.sync_copy(uid_v, uid_hbm.at[pl.ds(base, _QPW)])
    pltpu.sync_copy(par_v, par_hbm.at[pl.ds(base, _QPW)])
    pltpu.sync_copy(pow_v, pow_hbm.at[pl.ds(base, _QPW)])


def _edge_state(Wr, init64, uidq, powq):
    f32 = jnp.float32
    N = _N
    K = _N_INIT
    r32n = lax.broadcasted_iota(jnp.int32, (K, N), 0).astype(f32)

    G = lax.dot_general(Wr, Wr, (((1,), (1,)), ((), ())),
                        preferred_element_type=f32)
    Gdiag = jnp.sum(Wr * Wr, axis=1, keepdims=True)

    onehotU = (r32n == uidq).astype(f32)
    gdrow = lax.dot_general(Gdiag, onehotU, (((0,), (0,)), ((), ())),
                            preferred_element_type=f32)

    r32s = lax.broadcasted_iota(jnp.int32, (K, _INIT_SLAB), 0).astype(f32)
    P64 = (r32s == uidq[:, :_INIT_SLAB]).astype(f32)
    w0_64 = lax.dot_general(jnp.ones((K, 1), f32), P64 * init64[:K, :],
                            (((0,), (0,)), ((), ())),
                            preferred_element_type=f32)
    w0 = jnp.concatenate([w0_64, jnp.zeros((1, N - _INIT_SLAB), f32)],
                         axis=1)

    e = jnp.zeros((1, N), f32)
    B = init64[:K, :K]
    for s in range(1, _STEPS + 1):
        born = powq == float(2 ** (s - 1))
        bb = (powq > 0.0) & (powq < float(2 ** (s - 1)))
        bv = jnp.tanh(gdrow + w0) if s == 1 else jnp.tanh(gdrow)
        e = jnp.where(born, bv,
                      jnp.where(bb & (e != 0.0), jnp.tanh(gdrow + e), e))
        if s == 1:
            B = jnp.tanh(G + B)
        else:
            B = jnp.tanh(G + B) * (B != 0.0).astype(f32)
    return B, e


def _tc_body(wedge_ref, init_ref, obs_ref, uid_ref, par_ref, pow_ref,
             out_ref, w_scr):
    f32 = jnp.float32
    N = _N
    B, e_q = _edge_state(wedge_ref[...], init_ref[:, :_INIT_SLAB],
                         uid_ref[...], pow_ref[...])

    zs = jnp.zeros((1, _N_INIT), f32)
    e_n = jnp.concatenate([zs, e_q[:, : N - _N_INIT]], axis=1)
    p_n = jnp.concatenate([zs, par_ref[:, : N - _N_INIT]], axis=1)
    rif = lax.broadcasted_iota(jnp.int32, (N, N), 0).astype(f32)
    cif = lax.broadcasted_iota(jnp.int32, (N, N), 1).astype(f32)
    Bpad = jnp.concatenate(
        [jnp.concatenate([B, jnp.zeros((_N_INIT, N - _N_INIT), f32)], axis=1),
         jnp.zeros((N - _N_INIT, N), f32)], axis=0)
    treeW = jnp.where((p_n == rif) & (cif >= float(_N_INIT)), e_n, 0.0)
    w_scr[:N, :] = Bpad + treeW
    w_scr[N:, :] = jnp.zeros((_ACT, N), f32)

    obs = obs_ref[...]
    ones_b = jnp.ones((_B, 1), f32)
    v1 = jnp.concatenate(
        [ones_b, obs, jnp.zeros((_B, N - _OBS - 1), f32)], axis=1)
    Wact = w_scr[:N, :]
    h1 = jnp.tanh(lax.dot_general(v1, Wact, (((1,), (1,)), ((), ())),
                                  preferred_element_type=f32))
    v2 = jnp.concatenate([ones_b, obs, h1[:, _OBS + 1:]], axis=1)
    Wro = w_scr[N:, :]
    out_ref[...] = jnp.tanh(
        lax.dot_general(v2, Wro, (((1,), (1,)), ((), ())),
                        preferred_element_type=f32))


def kernel(obs, W_div, W_edge, init_edge_weights):
    mesh = plsc.VectorSubcoreMesh(core_axis_name="c", subcore_axis_name="s")
    routing = pl.kernel(
        _sc_routing_body,
        out_type=(jax.ShapeDtypeStruct((_N,), jnp.float32),
                  jax.ShapeDtypeStruct((_N,), jnp.float32),
                  jax.ShapeDtypeStruct((_N,), jnp.float32)),
        mesh=mesh,
        scratch_types=(pltpu.VMEM((_N_INIT,), jnp.float32),
                       pltpu.VMEM((_N_INIT,), jnp.int32),
                       pltpu.VMEM((_QPW,), jnp.float32),
                       pltpu.VMEM((_QPW,), jnp.float32),
                       pltpu.VMEM((_QPW,), jnp.float32)),
        compiler_params=pltpu.CompilerParams(needs_layout_passes=False),
    )
    uidq, parq, powq = routing(W_div[:_N_INIT, 0])
    uidq = uidq.reshape(1, _N)
    parq = parq.reshape(1, _N)
    powq = powq.reshape(1, _N)
    return pl.pallas_call(
        _tc_body,
        out_shape=jax.ShapeDtypeStruct((_B, _ACT), jnp.float32),
        grid=(1,),
        in_specs=[
            pl.BlockSpec((_N_INIT, _ACT), lambda i: (0, 0)),
            pl.BlockSpec((_INIT_SLAB, 128), lambda i: (0, 0)),
            pl.BlockSpec((_B, _OBS), lambda i: (0, 0)),
            pl.BlockSpec((1, _N), lambda i: (0, 0)),
            pl.BlockSpec((1, _N), lambda i: (0, 0)),
            pl.BlockSpec((1, _N), lambda i: (0, 0)),
        ],
        out_specs=pl.BlockSpec((_B, _ACT), lambda i: (0, 0)),
        scratch_shapes=[pltpu.VMEM((_N + _ACT, _N), jnp.float32)],
    )(W_edge[:_N_INIT], init_edge_weights, obs, uidq, parq, powq)

# --- scband reference (transcript-rebuilt; emitter-appended) ---
"""Pipeline reference for scband-ndpto-rnn-76158360093035 (READ-ONLY COPY).

The authoritative reference and input builder live on the scoring server;
editing this copy changes nothing except your own understanding.
"""

import jax, jax.numpy as jnp
import numpy as np

MAX_NODES = 2048
N_INIT = 32
MAX_DEV_STEPS = 5
OBS_DIMS = 64
ACTION_DIMS = 16
POLICY_ITERS = 2
EDGE_HIDDEN = 16
BATCH = 32


def setup_inputs(seed: int = 0):
    key = jax.random.key(seed)
    k1, k2, k3, k4 = jax.random.split(key, 4)
    return {
        "obs": jax.random.normal(k1, (BATCH, OBS_DIMS), dtype=jnp.float32),
        "W_div": jax.random.normal(k2, (MAX_NODES, 1), dtype=jnp.float32) * 0.5,
        "W_edge": jax.random.normal(k3, (MAX_NODES, EDGE_HIDDEN), dtype=jnp.float32) * 0.05,
        "init_edge_weights": jax.random.normal(k4, (MAX_NODES, MAX_NODES), dtype=jnp.float32) * jnp.sqrt(0.01),
    }


def _init_graph(init_edge_weights):
    N = MAX_NODES
    adj = jnp.zeros((N, N), dtype=jnp.float32).at[:N_INIT, :N_INIT].set(1.0)
    uid = jnp.where(jnp.arange(N) < N_INIT, jnp.arange(N), 0)
    emb = jax.nn.one_hot(uid, num_classes=N, dtype=jnp.float32)
    mask = jnp.zeros((N,), dtype=jnp.float32).at[:N_INIT].set(1.0)
    return adj, init_edge_weights, mask, emb


def _div_fn(emb, W_div):
    logits = emb @ W_div
    return (jax.nn.sigmoid(logits) > 0.5).astype(jnp.float32)


def _edge_fn(adj, weights, emb, W_edge):
    h = emb @ W_edge
    return jnp.tanh(h @ h.T + weights) * adj


def _add_new_nodes(adj, mask, emb, W_div):
    grow = jnp.squeeze(_div_fn(emb, W_div))
    alive = mask
    grow = grow * alive
    N = grow.shape[0]
    n_alive = alive.sum()
    n_grow = grow.sum()
    new_n = n_alive + n_grow
    new_mask = (jnp.arange(adj.shape[0]) < new_n).astype(jnp.float32)
    xnew_mask = new_mask - mask
    pc = (jnp.where(grow > 0, jnp.cumsum(grow) - 1.0, -1.0) + n_alive * grow).astype(jnp.int32)
    nA = jax.ops.segment_sum(jnp.identity(N, dtype=jnp.float32), pc, N).T
    adj = jnp.where(xnew_mask[None, :] > 0, nA, adj) * new_mask[None, :] * new_mask[:, None]
    children = jnp.where(grow > 0, pc, -100)
    parent_intrinsic = emb[..., :]
    emb = emb.at[children, ...].set(parent_intrinsic)
    return adj, new_mask, emb


def _rollout(adj, weights, mask, emb, W_div, W_edge):
    def _step(carry, _):
        adj, weights, mask, emb = carry
        adj, mask, emb = _add_new_nodes(adj, mask, emb, W_div)
        w = _edge_fn(adj, weights, emb, W_edge)
        adj = jnp.where(w != 0.0, 1.0, 0.0).astype(jnp.float32)
        return (adj, w, mask, emb), None
    (adj, weights, mask, emb), _ = jax.lax.scan(_step, (adj, weights, mask, emb), None, length=MAX_DEV_STEPS)
    return adj, weights, mask, emb


def _rnn_policy(weights, obs_i):
    h0 = jnp.zeros((MAX_NODES,), dtype=jnp.float32)
    def rnn_step(_, h):
        h = jnp.concatenate([jnp.ones((1,), dtype=jnp.float32), obs_i, h[OBS_DIMS + 1:]])
        return jnp.tanh(weights @ h)
    h = jax.lax.fori_loop(0, POLICY_ITERS, rnn_step, h0)
    return h[-ACTION_DIMS:]


def reference(obs, W_div, W_edge, init_edge_weights):
    adj, weights, mask, emb = _init_graph(init_edge_weights)
    adj, weights, mask, emb = _rollout(adj, weights, mask, emb, W_div, W_edge)
    actions = jax.vmap(lambda o: _rnn_policy(weights, o))(obs)
    return actions

if __name__ == "__main__":
    import jax
    _d = setup_inputs()
    print(jax.jit(kernel)(*tuple(_d.values())))

</pallas_src>

<mosaic_0001>
#map = affine_map<(d0, d1) -> (0)>
module attributes {stable_mosaic.version = 14 : i64} {
  func.func @_sc_routing_body(%arg0: i32, %arg1: i32, %arg2: memref<32xf32, #tpu.memory_space<hbm>>, %arg3: memref<1024xf32, #tpu.memory_space<hbm>>, %arg4: memref<1024xf32, #tpu.memory_space<hbm>>, %arg5: memref<1024xf32, #tpu.memory_space<hbm>>, %arg6: memref<32xf32, #tpu.memory_space<vmem>>, %arg7: memref<32xi32, #tpu.memory_space<vmem>>, %arg8: memref<32xf32, #tpu.memory_space<vmem>>, %arg9: memref<32xf32, #tpu.memory_space<vmem>>, %arg10: memref<32xf32, #tpu.memory_space<vmem>>) attributes {dimension_semantics = [#tpu.dimension_semantics<core_parallel>, #tpu.dimension_semantics<subcore_parallel>], iteration_bounds = array<i64: 2, 16>, scalar_prefetch = 0 : i64, scratch_operands = 5 : i64, tpu.core_type = #tpu.core_type<sc_vector_subcore>, window_params = [{transform_indices = #map}, {transform_indices = #map}, {transform_indices = #map}, {transform_indices = #map}]} {
    %mul3A = arith.constant 16 : i32
    %mul3A_0 = arith.muli %arg0, %mul3A : i32
    %add3A = arith.addi %mul3A_0, %arg1 : i32
    %mul3A_1 = arith.constant 32 : i32
    %mul3A_2 = arith.muli %add3A, %mul3A_1 : i32
    "tpu.region"() ({
      %run_scoped3A = tpu.sem_alloc : memref<!tpu.dma_semaphore, #tpu.memory_space<semaphore_mem>>
      tpu.enqueue_dma source(%arg2 : memref<32xf32, #tpu.memory_space<hbm>>) target(%arg6 : memref<32xf32, #tpu.memory_space<vmem>>) target_semaphore(%run_scoped3A : memref<!tpu.dma_semaphore, #tpu.memory_space<semaphore_mem>>)
      tpu.wait_dma2 semaphore(%run_scoped3A : memref<!tpu.dma_semaphore, #tpu.memory_space<semaphore_mem>>) src(%arg2 : memref<32xf32, #tpu.memory_space<hbm>>) dst(%arg6 : memref<32xf32, #tpu.memory_space<vmem>>)
      tpu.yield
    }) : () -> ()
    %get3A = arith.constant 0 : index
    %get3A_3 = tpu.vector_load %arg6[%get3A] {strides = array<i32>} : memref<32xf32, #tpu.memory_space<vmem>>, vector<16xf32>,
    %neg3A = arith.constant 0.000000e+00 : f32
    %neg3A_4 = vector.broadcast %neg3A : f32 to vector<16xf32>
    %neg3A_5 = arith.subf %neg3A_4, %get3A_3 : vector<16xf32>
    %exp3A = math.exp %neg3A_5 : vector<16xf32>
    %add3A_6 = arith.constant 1.000000e+00 : f32
    %add3A_7 = vector.broadcast %add3A_6 : f32 to vector<16xf32>
    %add3A_8 = arith.addf %add3A_7, %exp3A : vector<16xf32>
    %div3A = arith.constant 1.000000e+00 : f32
    %div3A_9 = vector.broadcast %div3A : f32 to vector<16xf32>
    %div3A_10 = arith.divf %div3A_9, %add3A_8 : vector<16xf32>
    %gt3A = arith.constant 5.000000e-01 : f32
    %gt3A_11 = vector.broadcast %gt3A : f32 to vector<16xf32>
    %gt3A_12 = arith.cmpf ogt, %div3A_10, %gt3A_11 : vector<16xf32>
    %jit3A = arith.constant 1 : i32
    %jit3A_13 = arith.constant 0 : i32
    %broadcast_in_dim3A = vector.broadcast %jit3A : i32 to vector<16xi32>
    %broadcast_in_dim3A_14 = vector.broadcast %jit3A_13 : i32 to vector<16xi32>
    %select_n3A = arith.select %gt3A_12, %broadcast_in_dim3A, %broadcast_in_dim3A_14 : vector<16xi1>, vector<16xi32>
    %broadcast_in_dim3A_15 = arith.constant true
    %broadcast_in_dim3A_16 = vector.broadcast %broadcast_in_dim3A_15 : i1 to vector<16xi1>
    %masked_cumsum3A = tpu.scan <sum>, %select_n3A masked %broadcast_in_dim3A_16 : vector<16xi32>, vector<16xi1> -> vector<16xi32>
    %sub3A = arith.subi %masked_cumsum3A, %select_n3A : vector<16xi32>
    %add3A_17 = arith.constant 0 : i32
    %add3A_18 = vector.broadcast %add3A_17 : i32 to vector<16xi32>
    %add3A_19 = arith.addi %sub3A, %add3A_18 : vector<16xi32>
    %reduce_sum3A = arith.constant true
    %reduce_sum3A_20 = vector.broadcast %reduce_sum3A : i1 to vector<16xi1>
    %reduce_sum3A_21 = tpu.scan <sum>, %select_n3A masked %reduce_sum3A_20 : vector<16xi32>, vector<16xi1> -> vector<16xi32>
    %reduce_sum3A_22 = vector.extract %reduce_sum3A_21[15] : i32 from vector<16xi32>
    %add3A_23 = arith.constant 0 : i32
    %add3A_24 = arith.addi %add3A_23, %reduce_sum3A_22 : i32
    %iota3A = tpu.iota {dimensions = array<i32: 0>} : vector<16xi32>
    %add3A_25 = arith.constant 0 : i32
    %add3A_26 = vector.broadcast %add3A_25 : i32 to vector<16xi32>
    %add3A_27 = arith.addi %iota3A, %add3A_26 : vector<16xi32>
    %broadcast_in_dim3A_28 = arith.constant 0 : i32
    %broadcast_in_dim3A_29 = vector.broadcast %broadcast_in_dim3A_28 : i32 to vector<16xi32>
    %swap3A = arith.constant 0 : index
    %swap3A_30 = tpu.vector_load %arg7[%swap3A] {strides = array<i32>} : memref<32xi32, #tpu.memory_space<vmem>>, vector<16xi32>,
    tpu.vector_store %arg7[%swap3A], %broadcast_in_dim3A_29 {strides = array<i32>} : memref<32xi32, #tpu.memory_space<vmem>>, vector<16xi32>,
    %gt3A_31 = arith.constant 0 : i32
    %gt3A_32 = vector.broadcast %gt3A_31 : i32 to vector<16xi32>
    %gt3A_33 = arith.cmpi sgt, %select_n3A, %gt3A_32 : vector<16xi32>
    tpu.vector_store_idx %arg7[%add3A_19], %add3A_27 masked %gt3A_33 : memref<32xi32, #tpu.memory_space<vmem>>[vector<16xi32>], vector<16xi32>, vector<16xi1>
    %get3A_34 = arith.constant 16 : index
    %get3A_35 = tpu.vector_load %arg6[%get3A_34] {strides = array<i32>} : memref<32xf32, #tpu.memory_space<vmem>>, vector<16xf32>,
    %neg3A_36 = arith.constant 0.000000e+00 : f32
    %neg3A_37 = vector.broadcast %neg3A_36 : f32 to vector<16xf32>
    %neg3A_38 = arith.subf %neg3A_37, %get3A_35 : vector<16xf32>
    %exp3A_39 = math.exp %neg3A_38 : vector<16xf32>
    %add3A_40 = arith.constant 1.000000e+00 : f32
    %add3A_41 = vector.broadcast %add3A_40 : f32 to vector<16xf32>
    %add3A_42 = arith.addf %add3A_41, %exp3A_39 : vector<16xf32>
    %div3A_43 = arith.constant 1.000000e+00 : f32
    %div3A_44 = vector.broadcast %div3A_43 : f32 to vector<16xf32>
    %div3A_45 = arith.divf %div3A_44, %add3A_42 : vector<16xf32>
    %gt3A_46 = arith.constant 5.000000e-01 : f32
    %gt3A_47 = vector.broadcast %gt3A_46 : f32 to vector<16xf32>
    %gt3A_48 = arith.cmpf ogt, %div3A_45, %gt3A_47 : vector<16xf32>
    %jit3A_49 = arith.constant 1 : i32
    %jit3A_50 = arith.constant 0 : i32
    %broadcast_in_dim3A_51 = vector.broadcast %jit3A_49 : i32 to vector<16xi32>
    %broadcast_in_dim3A_52 = vector.broadcast %jit3A_50 : i32 to vector<16xi32>
    %select_n3A_53 = arith.select %gt3A_48, %broadcast_in_dim3A_51, %broadcast_in_dim3A_52 : vector<16xi1>, vector<16xi32>
    %broadcast_in_dim3A_54 = arith.constant true
    %broadcast_in_dim3A_55 = vector.broadcast %broadcast_in_dim3A_54 : i1 to vector<16xi1>
    %masked_cumsum3A_56 = tpu.scan <sum>, %select_n3A_53 masked %broadcast_in_dim3A_55 : vector<16xi32>, vector<16xi1> -> vector<16xi32>
    %sub3A_57 = arith.subi %masked_cumsum3A_56, %select_n3A_53 : vector<16xi32>
    %add3A_58 = vector.broadcast %add3A_24 : i32 to vector<16xi32>
    %add3A_59 = arith.addi %sub3A_57, %add3A_58 : vector<16xi32>
    %reduce_sum3A_60 = arith.constant true
    %reduce_sum3A_61 = vector.broadcast %reduce_sum3A_60 : i1 to vector<16xi1>
    %reduce_sum3A_62 = tpu.scan <sum>, %select_n3A_53 masked %reduce_sum3A_61 : vector<16xi32>, vector<16xi1> -> vector<16xi32>
    %reduce_sum3A_63 = vector.extract %reduce_sum3A_62[15] : i32 from vector<16xi32>
    %add3A_64 = arith.addi %add3A_24, %reduce_sum3A_63 : i32
    %iota3A_65 = tpu.iota {dimensions = array<i32: 0>} : vector<16xi32>
    %add3A_66 = arith.constant 16 : i32
    %add3A_67 = vector.broadcast %add3A_66 : i32 to vector<16xi32>
    %add3A_68 = arith.addi %iota3A_65, %add3A_67 : vector<16xi32>
    %broadcast_in_dim3A_69 = arith.constant 0 : i32
    %broadcast_in_dim3A_70 = vector.broadcast %broadcast_in_dim3A_69 : i32 to vector<16xi32>
    %swap3A_71 = arith.constant 16 : index
    %swap3A_72 = tpu.vector_load %arg7[%swap3A_71] {strides = array<i32>} : memref<32xi32, #tpu.memory_space<vmem>>, vector<16xi32>,
    tpu.vector_store %arg7[%swap3A_71], %broadcast_in_dim3A_70 {strides = array<i32>} : memref<32xi32, #tpu.memory_space<vmem>>, vector<16xi32>,
    %gt3A_73 = arith.constant 0 : i32
    %gt3A_74 = vector.broadcast %gt3A_73 : i32 to vector<16xi32>
    %gt3A_75 = arith.cmpi sgt, %select_n3A_53, %gt3A_74 : vector<16xi32>
    tpu.vector_store_idx %arg7[%add3A_59], %add3A_68 masked %gt3A_75 : memref<32xi32, #tpu.memory_space<vmem>>[vector<16xi32>], vector<16xi32>, vector<16xi1>
    %max3A = arith.constant 1 : i32
    %max3A_76 = arith.maxsi %add3A_64, %max3A : i32
    %iota3A_77 = tpu.iota {dimensions = array<i32: 0>} : vector<16xi32>
    %add3A_78 = arith.constant 0 : i32
    %add3A_79 = arith.addi %mul3A_2, %add3A_78 : i32
    %add3A_80 = vector.broadcast %add3A_79 : i32 to vector<16xi32>
    %add3A_81 = arith.addi %iota3A_77, %add3A_80 : vector<16xi32>
    %eq3A = arith.constant 0 : i32
    %eq3A_82 = arith.cmpi eq, %max3A_76, %eq3A : i32
    %jit3A_83 = arith.constant 1 : i32
    %select_n3A_84 = arith.select %eq3A_82, %jit3A_83, %max3A_76 : i32
    %rem3A = vector.broadcast %select_n3A_84 : i32 to vector<16xi32>
    %rem3A_85 = arith.remsi %add3A_81, %rem3A : vector<16xi32>
    %ne3A = arith.constant 0 : i32
    %ne3A_86 = vector.broadcast %ne3A : i32 to vector<16xi32>
    %ne3A_87 = arith.cmpi ne, %rem3A_85, %ne3A_86 : vector<16xi32>
    %lt3A = arith.constant 0 : i32
    %lt3A_88 = vector.broadcast %lt3A : i32 to vector<16xi32>
    %lt3A_89 = arith.cmpi slt, %rem3A_85, %lt3A_88 : vector<16xi32>
    %lt3A_90 = arith.constant 0 : i32
    %lt3A_91 = arith.cmpi slt, %select_n3A_84, %lt3A_90 : i32
    %ne3A_92 = vector.broadcast %lt3A_91 : i1 to vector<16xi1>
    %ne3A_93 = vector.broadcast %ne3A_92 : vector<16xi1> to vector<16xi1>
    %ne3A_94 = arith.xori %lt3A_89, %ne3A_93 : vector<16xi1>
    %and3A = arith.andi %ne3A_94, %ne3A_87 : vector<16xi1>
    %add3A_95 = vector.broadcast %select_n3A_84 : i32 to vector<16xi32>
    %add3A_96 = arith.addi %rem3A_85, %add3A_95 : vector<16xi32>
    %select_n3A_97 = arith.select %and3A, %add3A_96, %rem3A_85 : vector<16xi1>, vector<16xi32>
    %gather3A = tpu.vector_load_idx %arg7[%select_n3A_97] : memref<32xi32, #tpu.memory_space<vmem>>[vector<16xi32>], vector<16xi32>,
    %broadcast_in_dim3A_98 = arith.constant 0 : i32
    %broadcast_in_dim3A_99 = vector.broadcast %broadcast_in_dim3A_98 : i32 to vector<16xi32>
    %mul3A_100 = arith.constant 0 : i32
    %mul3A_101 = arith.muli %mul3A_100, %add3A_64 : i32
    %mul3A_102 = arith.constant 1 : i32
    %mul3A_103 = arith.muli %mul3A_102, %add3A_64 : i32
    %ge3A = vector.broadcast %mul3A_101 : i32 to vector<16xi32>
    %ge3A_104 = arith.cmpi sge, %add3A_81, %ge3A : vector<16xi32>
    %lt3A_105 = vector.broadcast %mul3A_103 : i32 to vector<16xi32>
    %lt3A_106 = arith.cmpi slt, %add3A_81, %lt3A_105 : vector<16xi32>
    %and3A_107 = arith.andi %ge3A_104, %lt3A_106 : vector<16xi1>
    %jit3A_108 = arith.constant 1 : i32
    %broadcast_in_dim3A_109 = vector.broadcast %jit3A_108 : i32 to vector<16xi32>
    %select_n3A_110 = arith.select %and3A_107, %broadcast_in_dim3A_109, %broadcast_in_dim3A_99 : vector<16xi1>, vector<16xi32>
    %mul3A_111 = arith.constant 1 : i32
    %mul3A_112 = arith.muli %mul3A_111, %add3A_64 : i32
    %mul3A_113 = arith.constant 3 : i32
    %mul3A_114 = arith.muli %mul3A_113, %add3A_64 : i32
    %ge3A_115 = vector.broadcast %mul3A_112 : i32 to vector<16xi32>
    %ge3A_116 = arith.cmpi sge, %add3A_81, %ge3A_115 : vector<16xi32>
    %lt3A_117 = vector.broadcast %mul3A_114 : i32 to vector<16xi32>
    %lt3A_118 = arith.cmpi slt, %add3A_81, %lt3A_117 : vector<16xi32>
    %and3A_119 = arith.andi %ge3A_116, %lt3A_118 : vector<16xi1>
    %jit3A_120 = arith.constant 2 : i32
    %broadcast_in_dim3A_121 = vector.broadcast %jit3A_120 : i32 to vector<16xi32>
    %select_n3A_122 = arith.select %and3A_119, %broadcast_in_dim3A_121, %select_n3A_110 : vector<16xi1>, vector<16xi32>
    %mul3A_123 = arith.constant 3 : i32
    %mul3A_124 = arith.muli %mul3A_123, %add3A_64 : i32
    %mul3A_125 = arith.constant 7 : i32
    %mul3A_126 = arith.muli %mul3A_125, %add3A_64 : i32
    %ge3A_127 = vector.broadcast %mul3A_124 : i32 to vector<16xi32>
    %ge3A_128 = arith.cmpi sge, %add3A_81, %ge3A_127 : vector<16xi32>
    %lt3A_129 = vector.broadcast %mul3A_126 : i32 to vector<16xi32>
    %lt3A_130 = arith.cmpi slt, %add3A_81, %lt3A_129 : vector<16xi32>
    %and3A_131 = arith.andi %ge3A_128, %lt3A_130 : vector<16xi1>
    %jit3A_132 = arith.constant 4 : i32
    %broadcast_in_dim3A_133 = vector.broadcast %jit3A_132 : i32 to vector<16xi32>
    %select_n3A_134 = arith.select %and3A_131, %broadcast_in_dim3A_133, %select_n3A_122 : vector<16xi1>, vector<16xi32>
    %mul3A_135 = arith.constant 7 : i32
    %mul3A_136 = arith.muli %mul3A_135, %add3A_64 : i32
    %mul3A_137 = arith.constant 15 : i32
    %mul3A_138 = arith.muli %mul3A_137, %add3A_64 : i32
    %ge3A_139 = vector.broadcast %mul3A_136 : i32 to vector<16xi32>
    %ge3A_140 = arith.cmpi sge, %add3A_81, %ge3A_139 : vector<16xi32>
    %lt3A_141 = vector.broadcast %mul3A_138 : i32 to vector<16xi32>
    %lt3A_142 = arith.cmpi slt, %add3A_81, %lt3A_141 : vector<16xi32>
    %and3A_143 = arith.andi %ge3A_140, %lt3A_142 : vector<16xi1>
    %jit3A_144 = arith.constant 8 : i32
    %broadcast_in_dim3A_145 = vector.broadcast %jit3A_144 : i32 to vector<16xi32>
    %select_n3A_146 = arith.select %and3A_143, %broadcast_in_dim3A_145, %select_n3A_134 : vector<16xi1>, vector<16xi32>
    %mul3A_147 = arith.constant 15 : i32
    %mul3A_148 = arith.muli %mul3A_147, %add3A_64 : i32
    %mul3A_149 = arith.constant 31 : i32
    %mul3A_150 = arith.muli %mul3A_149, %add3A_64 : i32
    %ge3A_151 = vector.broadcast %mul3A_148 : i32 to vector<16xi32>
    %ge3A_152 = arith.cmpi sge, %add3A_81, %ge3A_151 : vector<16xi32>
    %lt3A_153 = vector.broadcast %mul3A_150 : i32 to vector<16xi32>
    %lt3A_154 = arith.cmpi slt, %add3A_81, %lt3A_153 : vector<16xi32>
    %and3A_155 = arith.andi %ge3A_152, %lt3A_154 : vector<16xi1>
    %jit3A_156 = arith.constant 16 : i32
    %broadcast_in_dim3A_157 = vector.broadcast %jit3A_156 : i32 to vector<16xi32>
    %select_n3A_158 = arith.select %and3A_155, %broadcast_in_dim3A_157, %select_n3A_146 : vector<16xi1>, vector<16xi32>
    %sub3A_159 = arith.constant 1 : i32
    %sub3A_160 = vector.broadcast %sub3A_159 : i32 to vector<16xi32>
    %sub3A_161 = arith.subi %select_n3A_158, %sub3A_160 : vector<16xi32>
    %mul3A_162 = vector.broadcast %add3A_64 : i32 to vector<16xi32>
    %mul3A_163 = arith.muli %sub3A_161, %mul3A_162 : vector<16xi32>
    %sub3A_164 = arith.subi %add3A_81, %mul3A_163 : vector<16xi32>
    %lt3A_165 = vector.broadcast %add3A_64 : i32 to vector<16xi32>
    %lt3A_166 = arith.cmpi slt, %sub3A_164, %lt3A_165 : vector<16xi32>
    %add3A_167 = arith.constant 32 : i32
    %add3A_168 = vector.broadcast %add3A_167 : i32 to vector<16xi32>
    %add3A_169 = arith.addi %add3A_81, %add3A_168 : vector<16xi32>
    %mul3A_170 = vector.broadcast %add3A_64 : i32 to vector<16xi32>
    %mul3A_171 = arith.muli %select_n3A_158, %mul3A_170 : vector<16xi32>
    %sub3A_172 = arith.subi %add3A_169, %mul3A_171 : vector<16xi32>
    %select_n3A_173 = arith.select %lt3A_166, %gather3A, %sub3A_172 : vector<16xi1>, vector<16xi32>
    %gt3A_174 = arith.constant 0 : i32
    %gt3A_175 = vector.broadcast %gt3A_174 : i32 to vector<16xi32>
    %gt3A_176 = arith.cmpi sgt, %select_n3A_158, %gt3A_175 : vector<16xi32>
    %jit3A_177 = arith.constant 0 : i32
    %broadcast_in_dim3A_178 = vector.broadcast %jit3A_177 : i32 to vector<16xi32>
    %select_n3A_179 = arith.select %gt3A_176, %select_n3A_173, %broadcast_in_dim3A_178 : vector<16xi1>, vector<16xi32>
    %jit3A_180 = arith.constant 0 : i32
    %broadcast_in_dim3A_181 = vector.broadcast %jit3A_180 : i32 to vector<16xi32>
    %select_n3A_182 = arith.select %gt3A_176, %gather3A, %broadcast_in_dim3A_181 : vector<16xi1>, vector<16xi32>
    %convert_element_type3A = arith.sitofp %select_n3A_182 : vector<16xi32> to vector<16xf32>
    %swap3A_183 = arith.constant 0 : index
    %swap3A_184 = tpu.vector_load %arg8[%swap3A_183] {strides = array<i32>} : memref<32xf32, #tpu.memory_space<vmem>>, vector<16xf32>,
    tpu.vector_store %arg8[%swap3A_183], %convert_element_type3A {strides = array<i32>} : memref<32xf32, #tpu.memory_space<vmem>>, vector<16xf32>,
    %convert_element_type3A_185 = arith.sitofp %select_n3A_179 : vector<16xi32> to vector<16xf32>
    %swap3A_186 = arith.constant 0 : index
    %swap3A_187 = tpu.vector_load %arg9[%swap3A_186] {strides = array<i32>} : memref<32xf32, #tpu.memory_space<vmem>>, vector<16xf32>,
    tpu.vector_store %arg9[%swap3A_186], %convert_element_type3A_185 {strides = array<i32>} : memref<32xf32, #tpu.memory_space<vmem>>, vector<16xf32>,
    %convert_element_type3A_188 = arith.sitofp %select_n3A_158 : vector<16xi32> to vector<16xf32>
    %swap3A_189 = arith.constant 0 : index
    %swap3A_190 = tpu.vector_load %arg10[%swap3A_189] {strides = array<i32>} : memref<32xf32, #tpu.memory_space<vmem>>, vector<16xf32>,
    tpu.vector_store %arg10[%swap3A_189], %convert_element_type3A_188 {strides = array<i32>} : memref<32xf32, #tpu.memory_space<vmem>>, vector<16xf32>,
    %iota3A_191 = tpu.iota {dimensions = array<i32: 0>} : vector<16xi32>
    %add3A_192 = arith.constant 16 : i32
    %add3A_193 = arith.addi %mul3A_2, %add3A_192 : i32
    %add3A_194 = vector.broadcast %add3A_193 : i32 to vector<16xi32>
    %add3A_195 = arith.addi %iota3A_191, %add3A_194 : vector<16xi32>
    %eq3A_196 = arith.constant 0 : i32
    %eq3A_197 = arith.cmpi eq, %max3A_76, %eq3A_196 : i32
    %jit3A_198 = arith.constant 1 : i32
    %select_n3A_199 = arith.select %eq3A_197, %jit3A_198, %max3A_76 : i32
    %rem3A_200 = vector.broadcast %select_n3A_199 : i32 to vector<16xi32>
    %rem3A_201 = arith.remsi %add3A_195, %rem3A_200 : vector<16xi32>
    %ne3A_202 = arith.constant 0 : i32
    %ne3A_203 = vector.broadcast %ne3A_202 : i32 to vector<16xi32>
    %ne3A_204 = arith.cmpi ne, %rem3A_201, %ne3A_203 : vector<16xi32>
    %lt3A_205 = arith.constant 0 : i32
    %lt3A_206 = vector.broadcast %lt3A_205 : i32 to vector<16xi32>
    %lt3A_207 = arith.cmpi slt, %rem3A_201, %lt3A_206 : vector<16xi32>
    %lt3A_208 = arith.constant 0 : i32
    %lt3A_209 = arith.cmpi slt, %select_n3A_199, %lt3A_208 : i32
    %ne3A_210 = vector.broadcast %lt3A_209 : i1 to vector<16xi1>
    %ne3A_211 = vector.broadcast %ne3A_210 : vector<16xi1> to vector<16xi1>
    %ne3A_212 = arith.xori %lt3A_207, %ne3A_211 : vector<16xi1>
    %and3A_213 = arith.andi %ne3A_212, %ne3A_204 : vector<16xi1>
    %add3A_214 = vector.broadcast %select_n3A_199 : i32 to vector<16xi32>
    %add3A_215 = arith.addi %rem3A_201, %add3A_214 : vector<16xi32>
    %select_n3A_216 = arith.select %and3A_213, %add3A_215, %rem3A_201 : vector<16xi1>, vector<16xi32>
    %gather3A_217 = tpu.vector_load_idx %arg7[%select_n3A_216] : memref<32xi32, #tpu.memory_space<vmem>>[vector<16xi32>], vector<16xi32>,
    %broadcast_in_dim3A_218 = arith.constant 0 : i32
    %broadcast_in_dim3A_219 = vector.broadcast %broadcast_in_dim3A_218 : i32 to vector<16xi32>
    %mul3A_220 = arith.constant 0 : i32
    %mul3A_221 = arith.muli %mul3A_220, %add3A_64 : i32
    %mul3A_222 = arith.constant 1 : i32
    %mul3A_223 = arith.muli %mul3A_222, %add3A_64 : i32
    %ge3A_224 = vector.broadcast %mul3A_221 : i32 to vector<16xi32>
    %ge3A_225 = arith.cmpi sge, %add3A_195, %ge3A_224 : vector<16xi32>
    %lt3A_226 = vector.broadcast %mul3A_223 : i32 to vector<16xi32>
    %lt3A_227 = arith.cmpi slt, %add3A_195, %lt3A_226 : vector<16xi32>
    %and3A_228 = arith.andi %ge3A_225, %lt3A_227 : vector<16xi1>
    %jit3A_229 = arith.constant 1 : i32
    %broadcast_in_dim3A_230 = vector.broadcast %jit3A_229 : i32 to vector<16xi32>
    %select_n3A_231 = arith.select %and3A_228, %broadcast_in_dim3A_230, %broadcast_in_dim3A_219 : vector<16xi1>, vector<16xi32>
    %mul3A_232 = arith.constant 1 : i32
    %mul3A_233 = arith.muli %mul3A_232, %add3A_64 : i32
    %mul3A_234 = arith.constant 3 : i32
    %mul3A_235 = arith.muli %mul3A_234, %add3A_64 : i32
    %ge3A_236 = vector.broadcast %mul3A_233 : i32 to vector<16xi32>
    %ge3A_237 = arith.cmpi sge, %add3A_195, %ge3A_236 : vector<16xi32>
    %lt3A_238 = vector.broadcast %mul3A_235 : i32 to vector<16xi32>
    %lt3A_239 = arith.cmpi slt, %add3A_195, %lt3A_238 : vector<16xi32>
    %and3A_240 = arith.andi %ge3A_237, %lt3A_239 : vector<16xi1>
    %jit3A_241 = arith.constant 2 : i32
    %broadcast_in_dim3A_242 = vector.broadcast %jit3A_241 : i32 to vector<16xi32>
    %select_n3A_243 = arith.select %and3A_240, %broadcast_in_dim3A_242, %select_n3A_231 : vector<16xi1>, vector<16xi32>
    %mul3A_244 = arith.constant 3 : i32
    %mul3A_245 = arith.muli %mul3A_244, %add3A_64 : i32
    %mul3A_246 = arith.constant 7 : i32
    %mul3A_247 = arith.muli %mul3A_246, %add3A_64 : i32
    %ge3A_248 = vector.broadcast %mul3A_245 : i32 to vector<16xi32>
    %ge3A_249 = arith.cmpi sge, %add3A_195, %ge3A_248 : vector<16xi32>
    %lt3A_250 = vector.broadcast %mul3A_247 : i32 to vector<16xi32>
    %lt3A_251 = arith.cmpi slt, %add3A_195, %lt3A_250 : vector<16xi32>
    %and3A_252 = arith.andi %ge3A_249, %lt3A_251 : vector<16xi1>
    %jit3A_253 = arith.constant 4 : i32
    %broadcast_in_dim3A_254 = vector.broadcast %jit3A_253 : i32 to vector<16xi32>
    %select_n3A_255 = arith.select %and3A_252, %broadcast_in_dim3A_254, %select_n3A_243 : vector<16xi1>, vector<16xi32>
    %mul3A_256 = arith.constant 7 : i32
    %mul3A_257 = arith.muli %mul3A_256, %add3A_64 : i32
    %mul3A_258 = arith.constant 15 : i32
    %mul3A_259 = arith.muli %mul3A_258, %add3A_64 : i32
    %ge3A_260 = vector.broadcast %mul3A_257 : i32 to vector<16xi32>
    %ge3A_261 = arith.cmpi sge, %add3A_195, %ge3A_260 : vector<16xi32>
    %lt3A_262 = vector.broadcast %mul3A_259 : i32 to vector<16xi32>
    %lt3A_263 = arith.cmpi slt, %add3A_195, %lt3A_262 : vector<16xi32>
    %and3A_264 = arith.andi %ge3A_261, %lt3A_263 : vector<16xi1>
    %jit3A_265 = arith.constant 8 : i32
    %broadcast_in_dim3A_266 = vector.broadcast %jit3A_265 : i32 to vector<16xi32>
    %select_n3A_267 = arith.select %and3A_264, %broadcast_in_dim3A_266, %select_n3A_255 : vector<16xi1>, vector<16xi32>
    %mul3A_268 = arith.constant 15 : i32
    %mul3A_269 = arith.muli %mul3A_268, %add3A_64 : i32
    %mul3A_270 = arith.constant 31 : i32
    %mul3A_271 = arith.muli %mul3A_270, %add3A_64 : i32
    %ge3A_272 = vector.broadcast %mul3A_269 : i32 to vector<16xi32>
    %ge3A_273 = arith.cmpi sge, %add3A_195, %ge3A_272 : vector<16xi32>
    %lt3A_274 = vector.broadcast %mul3A_271 : i32 to vector<16xi32>
    %lt3A_275 = arith.cmpi slt, %add3A_195, %lt3A_274 : vector<16xi32>
    %and3A_276 = arith.andi %ge3A_273, %lt3A_275 : vector<16xi1>
    %jit3A_277 = arith.constant 16 : i32
    %broadcast_in_dim3A_278 = vector.broadcast %jit3A_277 : i32 to vector<16xi32>
    %select_n3A_279 = arith.select %and3A_276, %broadcast_in_dim3A_278, %select_n3A_267 : vector<16xi1>, vector<16xi32>
    %sub3A_280 = arith.constant 1 : i32
    %sub3A_281 = vector.broadcast %sub3A_280 : i32 to vector<16xi32>
    %sub3A_282 = arith.subi %select_n3A_279, %sub3A_281 : vector<16xi32>
    %mul3A_283 = vector.broadcast %add3A_64 : i32 to vector<16xi32>
    %mul3A_284 = arith.muli %sub3A_282, %mul3A_283 : vector<16xi32>
    %sub3A_285 = arith.subi %add3A_195, %mul3A_284 : vector<16xi32>
    %lt3A_286 = vector.broadcast %add3A_64 : i32 to vector<16xi32>
    %lt3A_287 = arith.cmpi slt, %sub3A_285, %lt3A_286 : vector<16xi32>
    %add3A_288 = arith.constant 32 : i32
    %add3A_289 = vector.broadcast %add3A_288 : i32 to vector<16xi32>
    %add3A_290 = arith.addi %add3A_195, %add3A_289 : vector<16xi32>
    %mul3A_291 = vector.broadcast %add3A_64 : i32 to vector<16xi32>
    %mul3A_292 = arith.muli %select_n3A_279, %mul3A_291 : vector<16xi32>
    %sub3A_293 = arith.subi %add3A_290, %mul3A_292 : vector<16xi32>
    %select_n3A_294 = arith.select %lt3A_287, %gather3A_217, %sub3A_293 : vector<16xi1>, vector<16xi32>
    %gt3A_295 = arith.constant 0 : i32
    %gt3A_296 = vector.broadcast %gt3A_295 : i32 to vector<16xi32>
    %gt3A_297 = arith.cmpi sgt, %select_n3A_279, %gt3A_296 : vector<16xi32>
    %jit3A_298 = arith.constant 0 : i32
    %broadcast_in_dim3A_299 = vector.broadcast %jit3A_298 : i32 to vector<16xi32>
    %select_n3A_300 = arith.select %gt3A_297, %select_n3A_294, %broadcast_in_dim3A_299 : vector<16xi1>, vector<16xi32>
    %jit3A_301 = arith.constant 0 : i32
    %broadcast_in_dim3A_302 = vector.broadcast %jit3A_301 : i32 to vector<16xi32>
    %select_n3A_303 = arith.select %gt3A_297, %gather3A_217, %broadcast_in_dim3A_302 : vector<16xi1>, vector<16xi32>
    %convert_element_type3A_304 = arith.sitofp %select_n3A_303 : vector<16xi32> to vector<16xf32>
    %swap3A_305 = arith.constant 16 : index
    %swap3A_306 = tpu.vector_load %arg8[%swap3A_305] {strides = array<i32>} : memref<32xf32, #tpu.memory_space<vmem>>, vector<16xf32>,
    tpu.vector_store %arg8[%swap3A_305], %convert_element_type3A_304 {strides = array<i32>} : memref<32xf32, #tpu.memory_space<vmem>>, vector<16xf32>,
    %convert_element_type3A_307 = arith.sitofp %select_n3A_300 : vector<16xi32> to vector<16xf32>
    %swap3A_308 = arith.constant 16 : index
    %swap3A_309 = tpu.vector_load %arg9[%swap3A_308] {strides = array<i32>} : memref<32xf32, #tpu.memory_space<vmem>>, vector<16xf32>,
    tpu.vector_store %arg9[%swap3A_308], %convert_element_type3A_307 {strides = array<i32>} : memref<32xf32, #tpu.memory_space<vmem>>, vector<16xf32>,
    %convert_element_type3A_310 = arith.sitofp %select_n3A_279 : vector<16xi32> to vector<16xf32>
    %swap3A_311 = arith.constant 16 : index
    %swap3A_312 = tpu.vector_load %arg10[%swap3A_311] {strides = array<i32>} : memref<32xf32, #tpu.memory_space<vmem>>, vector<16xf32>,
    tpu.vector_store %arg10[%swap3A_311], %convert_element_type3A_310 {strides = array<i32>} : memref<32xf32, #tpu.memory_space<vmem>>, vector<16xf32>,
    "tpu.region"() ({
      %run_scoped3A = tpu.sem_alloc : memref<!tpu.dma_semaphore, #tpu.memory_space<semaphore_mem>>
      %dma_start3A = tpu.memref_slice %arg3[%mul3A_2] : memref<1024xf32, #tpu.memory_space<hbm>> -> memref<32xf32, #tpu.memory_space<hbm>>
      %dma_start3A_313 = tpu.memref_slice %arg3[%mul3A_2] : memref<1024xf32, #tpu.memory_space<hbm>> -> memref<32xf32, #tpu.memory_space<hbm>>
      tpu.enqueue_dma source(%arg8 : memref<32xf32, #tpu.memory_space<vmem>>) target(%dma_start3A_313 : memref<32xf32, #tpu.memory_space<hbm>>) target_semaphore(%run_scoped3A : memref<!tpu.dma_semaphore, #tpu.memory_space<semaphore_mem>>)
      %dma_wait3A = tpu.memref_slice %arg3[%mul3A_2] : memref<1024xf32, #tpu.memory_space<hbm>> -> memref<32xf32, #tpu.memory_space<hbm>>
      %dma_wait3A_314 = tpu.memref_slice %arg3[%mul3A_2] : memref<1024xf32, #tpu.memory_space<hbm>> -> memref<32xf32, #tpu.memory_space<hbm>>
      tpu.wait_dma2 semaphore(%run_scoped3A : memref<!tpu.dma_semaphore, #tpu.memory_space<semaphore_mem>>) src(%arg8 : memref<32xf32, #tpu.memory_space<vmem>>) dst(%dma_wait3A_314 : memref<32xf32, #tpu.memory_space<hbm>>)
      tpu.yield
    }) : () -> ()
    "tpu.region"() ({
      %run_scoped3A = tpu.sem_alloc : memref<!tpu.dma_semaphore, #tpu.memory_space<semaphore_mem>>
      %dma_start3A = tpu.memref_slice %arg4[%mul3A_2] : memref<1024xf32, #tpu.memory_space<hbm>> -> memref<32xf32, #tpu.memory_space<hbm>>
      %dma_start3A_313 = tpu.memref_slice %arg4[%mul3A_2] : memref<1024xf32, #tpu.memory_space<hbm>> -> memref<32xf32, #tpu.memory_space<hbm>>
      tpu.enqueue_dma source(%arg9 : memref<32xf32, #tpu.memory_space<vmem>>) target(%dma_start3A_313 : memref<32xf32, #tpu.memory_space<hbm>>) target_semaphore(%run_scoped3A : memref<!tpu.dma_semaphore, #tpu.memory_space<semaphore_mem>>)
      %dma_wait3A = tpu.memref_slice %arg4[%mul3A_2] : memref<1024xf32, #tpu.memory_space<hbm>> -> memref<32xf32, #tpu.memory_space<hbm>>
      %dma_wait3A_314 = tpu.memref_slice %arg4[%mul3A_2] : memref<1024xf32, #tpu.memory_space<hbm>> -> memref<32xf32, #tpu.memory_space<hbm>>
      tpu.wait_dma2 semaphore(%run_scoped3A : memref<!tpu.dma_semaphore, #tpu.memory_space<semaphore_mem>>) src(%arg9 : memref<32xf32, #tpu.memory_space<vmem>>) dst(%dma_wait3A_314 : memref<32xf32, #tpu.memory_space<hbm>>)
      tpu.yield
    }) : () -> ()
    "tpu.region"() ({
      %run_scoped3A = tpu.sem_alloc : memref<!tpu.dma_semaphore, #tpu.memory_space<semaphore_mem>>
      %dma_start3A = tpu.memref_slice %arg5[%mul3A_2] : memref<1024xf32, #tpu.memory_space<hbm>> -> memref<32xf32, #tpu.memory_space<hbm>>
      %dma_start3A_313 = tpu.memref_slice %arg5[%mul3A_2] : memref<1024xf32, #tpu.memory_space<hbm>> -> memref<32xf32, #tpu.memory_space<hbm>>
      tpu.enqueue_dma source(%arg10 : memref<32xf32, #tpu.memory_space<vmem>>) target(%dma_start3A_313 : memref<32xf32, #tpu.memory_space<hbm>>) target_semaphore(%run_scoped3A : memref<!tpu.dma_semaphore, #tpu.memory_space<semaphore_mem>>)
      %dma_wait3A = tpu.memref_slice %arg5[%mul3A_2] : memref<1024xf32, #tpu.memory_space<hbm>> -> memref<32xf32, #tpu.memory_space<hbm>>
      %dma_wait3A_314 = tpu.memref_slice %arg5[%mul3A_2] : memref<1024xf32, #tpu.memory_space<hbm>> -> memref<32xf32, #tpu.memory_space<hbm>>
      tpu.wait_dma2 semaphore(%run_scoped3A : memref<!tpu.dma_semaphore, #tpu.memory_space<semaphore_mem>>) src(%arg10 : memref<32xf32, #tpu.memory_space<vmem>>) dst(%dma_wait3A_314 : memref<32xf32, #tpu.memory_space<hbm>>)
      tpu.yield
    }) : () -> ()
    return
  }
}

module attributes {stable_mosaic.version = 14 : i64} {
  func.func @_tc_body(%arg0: i32, %arg1: memref<32x16xf32, #tpu.memory_space<vmem>>, %arg2: memref<64x128xf32, #tpu.memory_space<vmem>>, %arg3: memref<32x64xf32, #tpu.memory_space<vmem>>, %arg4: memref<1x1024xf32, #tpu.memory_space<vmem>>, %arg5: memref<1x1024xf32, #tpu.memory_space<vmem>>, %arg6: memref<1x1024xf32, #tpu.memory_space<vmem>>, %arg7: memref<32x16xf32, #tpu.memory_space<vmem>>, %arg8: memref<1040x1024xf32, #tpu.memory_space<vmem>>) attributes {dimension_semantics = [#tpu.dimension_semantics<arbitrary>], iteration_bounds = array<i64: 1>, scalar_prefetch = 0 : i64, scratch_operands = 1 : i64, tpu.core_type = #tpu.core_type<tc>, window_params = [{pipeline_mode = #tpu.pipeline_mode<synchronous>, transform_indices = @transform_0, window_bounds = array<i64: 32, 16>}, {transform_indices = @transform_1, window_bounds = array<i64: 64, 128>}, {pipeline_mode = #tpu.pipeline_mode<synchronous>, transform_indices = @transform_2, window_bounds = array<i64: 32, 64>}, {pipeline_mode = #tpu.pipeline_mode<synchronous>, transform_indices = @transform_3, window_bounds = array<i64: 1, 1024>}, {pipeline_mode = #tpu.pipeline_mode<synchronous>, transform_indices = @transform_4, window_bounds = array<i64: 1, 1024>}, {pipeline_mode = #tpu.pipeline_mode<synchronous>, transform_indices = @transform_5, window_bounds = array<i64: 1, 1024>}, {pipeline_mode = #tpu.pipeline_mode<synchronous>, transform_indices = @transform_6, window_bounds = array<i64: 32, 16>}]} {
    %get3A = arith.constant 0 : index
    %get3A_0 = arith.constant 0 : index
    %get3A_1 = vector.load %arg1[%get3A, %get3A_0] : memref<32x16xf32, #tpu.memory_space<vmem>>, vector<32x16xf32>
    %get3A_2 = arith.constant 0 : index
    %get3A_3 = arith.constant 0 : index
    %get3A_4 = vector.load %arg2[%get3A_2, %get3A_3] : memref<64x128xf32, #tpu.memory_space<vmem>>, vector<64x64xf32>
    %get3A_5 = arith.constant 0 : index
    %get3A_6 = arith.constant 0 : index
    %get3A_7 = vector.load %arg4[%get3A_5, %get3A_6] : memref<1x1024xf32, #tpu.memory_space<vmem>>, vector<1x1024xf32>
    %get3A_8 = arith.constant 0 : index
    %get3A_9 = arith.constant 0 : index
    %get3A_10 = vector.load %arg6[%get3A_8, %get3A_9] : memref<1x1024xf32, #tpu.memory_space<vmem>>, vector<1x1024xf32>
    %iota3A = tpu.iota {dimensions = array<i32: 0>} : vector<32x1024xi32>
    %convert_element_type3A = arith.sitofp %iota3A : vector<32x1024xi32> to vector<32x1024xf32>
    %dot_general3A = arith.constant dense<0.000000e+00> : vector<32x32xf32>
    %dot_general3A_11 = tpu.matmul %get3A_1, %get3A_1, %dot_general3A {dimension_numbers = #tpu.dot_dimension_numbers<[1], [1], [0], [0], [0, 0, 1, 0], [], []>, transpose_lhs_hint = false} : vector<32x16xf32>, vector<32x16xf32>, vector<32x32xf32> -> vector<32x32xf32>
    %mul3A = arith.mulf %get3A_1, %get3A_1 : vector<32x16xf32>
    %reduce_sum3A = arith.constant dense<0.000000e+00> : vector<32xf32>
    %reduce_sum3A_12 = vector.multi_reduction <add>, %mul3A, %reduce_sum3A [1] : vector<32x16xf32> to vector<32xf32>
    %broadcast_in_dim3A = vector.shape_cast %reduce_sum3A_12 : vector<32xf32> to vector<32x1xf32>
    %eq3A = vector.broadcast %get3A_7 : vector<1x1024xf32> to vector<32x1024xf32>
    %eq3A_13 = arith.cmpf oeq, %convert_element_type3A, %eq3A : vector<32x1024xf32>
    %convert_element_type3A_14 = arith.extui %eq3A_13 : vector<32x1024xi1> to vector<32x1024xi32>
    %convert_element_type3A_15 = arith.sitofp %convert_element_type3A_14 : vector<32x1024xi32> to vector<32x1024xf32>
    %dot_general3A_16 = arith.constant dense<0.000000e+00> : vector<1x1024xf32>
    %dot_general3A_17 = tpu.matmul %broadcast_in_dim3A, %convert_element_type3A_15, %dot_general3A_16 {dimension_numbers = #tpu.dot_dimension_numbers<[0], [0], [1], [1], [0, 1, 1, 1], [], []>, transpose_lhs_hint = false} : vector<32x1xf32>, vector<32x1024xf32>, vector<1x1024xf32> -> vector<1x1024xf32>
    %iota3A_18 = tpu.iota {dimensions = array<i32: 0>} : vector<32x64xi32>
    %convert_element_type3A_19 = arith.sitofp %iota3A_18 : vector<32x64xi32> to vector<32x64xf32>
    %slice3A = vector.extract_strided_slice %get3A_7 {offsets = [0, 0], sizes = [1, 64], strides = [1, 1]} : vector<1x1024xf32> to vector<1x64xf32>
    %eq3A_20 = vector.broadcast %slice3A : vector<1x64xf32> to vector<32x64xf32>
    %eq3A_21 = arith.cmpf oeq, %convert_element_type3A_19, %eq3A_20 : vector<32x64xf32>
    %convert_element_type3A_22 = arith.extui %eq3A_21 : vector<32x64xi1> to vector<32x64xi32>
    %convert_element_type3A_23 = arith.sitofp %convert_element_type3A_22 : vector<32x64xi32> to vector<32x64xf32>
    %broadcast_in_dim3A_24 = arith.constant 1.000000e+00 : f32
    %broadcast_in_dim3A_25 = vector.broadcast %broadcast_in_dim3A_24 : f32 to vector<32x1xf32>
    %slice3A_26 = vector.extract_strided_slice %get3A_4 {offsets = [0, 0], sizes = [32, 64], strides = [1, 1]} : vector<64x64xf32> to vector<32x64xf32>
    %mul3A_27 = arith.mulf %convert_element_type3A_23, %slice3A_26 : vector<32x64xf32>
    %dot_general3A_28 = arith.constant dense<0.000000e+00> : vector<1x64xf32>
    %dot_general3A_29 = tpu.matmul %broadcast_in_dim3A_25, %mul3A_27, %dot_general3A_28 {dimension_numbers = #tpu.dot_dimension_numbers<[0], [0], [1], [1], [0, 1, 1, 1], [], []>, transpose_lhs_hint = false} : vector<32x1xf32>, vector<32x64xf32>, vector<1x64xf32> -> vector<1x64xf32>
    %broadcast_in_dim3A_30 = arith.constant 0.000000e+00 : f32
    %broadcast_in_dim3A_31 = vector.broadcast %broadcast_in_dim3A_30 : f32 to vector<1x960xf32>
    %concatenate3A = tpu.concatenate %dot_general3A_29, %broadcast_in_dim3A_31 in 1 : vector<1x64xf32>, vector<1x960xf32> -> vector<1x1024xf32>
    %broadcast_in_dim3A_32 = arith.constant 0.000000e+00 : f32
    %broadcast_in_dim3A_33 = vector.broadcast %broadcast_in_dim3A_32 : f32 to vector<1x1024xf32>
    %slice3A_34 = vector.extract_strided_slice %get3A_4 {offsets = [0, 0], sizes = [32, 32], strides = [1, 1]} : vector<64x64xf32> to vector<32x32xf32>
    %eq3A_35 = arith.constant 1.000000e+00 : f32
    %eq3A_36 = vector.broadcast %eq3A_35 : f32 to vector<1x1024xf32>
    %eq3A_37 = arith.cmpf oeq, %get3A_10, %eq3A_36 : vector<1x1024xf32>
    %gt3A = arith.constant 0.000000e+00 : f32
    %gt3A_38 = vector.broadcast %gt3A : f32 to vector<1x1024xf32>
    %gt3A_39 = arith.cmpf ogt, %get3A_10, %gt3A_38 : vector<1x1024xf32>
    %lt3A = arith.constant 1.000000e+00 : f32
    %lt3A_40 = vector.broadcast %lt3A : f32 to vector<1x1024xf32>
    %lt3A_41 = arith.cmpf olt, %get3A_10, %lt3A_40 : vector<1x1024xf32>
    %and3A = arith.andi %gt3A_39, %lt3A_41 : vector<1x1024xi1>
    %add3A = arith.addf %dot_general3A_17, %concatenate3A : vector<1x1024xf32>
    %tanh3A = math.tanh %add3A : vector<1x1024xf32>
    %ne3A = arith.constant 0.000000e+00 : f32
    %ne3A_42 = vector.broadcast %ne3A : f32 to vector<1x1024xf32>
    %ne3A_43 = arith.cmpf one, %broadcast_in_dim3A_33, %ne3A_42 : vector<1x1024xf32>
    %and3A_44 = arith.andi %and3A, %ne3A_43 : vector<1x1024xi1>
    %add3A_45 = arith.addf %dot_general3A_17, %broadcast_in_dim3A_33 : vector<1x1024xf32>
    %tanh3A_46 = math.tanh %add3A_45 : vector<1x1024xf32>
    %select_n3A = arith.select %and3A_44, %tanh3A_46, %broadcast_in_dim3A_33 : vector<1x1024xi1>, vector<1x1024xf32>
    %select_n3A_47 = arith.select %eq3A_37, %tanh3A, %select_n3A : vector<1x1024xi1>, vector<1x1024xf32>
    %add3A_48 = arith.addf %dot_general3A_11, %slice3A_34 : vector<32x32xf32>
    %tanh3A_49 = math.tanh %add3A_48 : vector<32x32xf32>
    %eq3A_50 = arith.constant 2.000000e+00 : f32
    %eq3A_51 = vector.broadcast %eq3A_50 : f32 to vector<1x1024xf32>
    %eq3A_52 = arith.cmpf oeq, %get3A_10, %eq3A_51 : vector<1x1024xf32>
    %gt3A_53 = arith.constant 0.000000e+00 : f32
    %gt3A_54 = vector.broadcast %gt3A_53 : f32 to vector<1x1024xf32>
    %gt3A_55 = arith.cmpf ogt, %get3A_10, %gt3A_54 : vector<1x1024xf32>
    %lt3A_56 = arith.constant 2.000000e+00 : f32
    %lt3A_57 = vector.broadcast %lt3A_56 : f32 to vector<1x1024xf32>
    %lt3A_58 = arith.cmpf olt, %get3A_10, %lt3A_57 : vector<1x1024xf32>
    %and3A_59 = arith.andi %gt3A_55, %lt3A_58 : vector<1x1024xi1>
    %tanh3A_60 = math.tanh %dot_general3A_17 : vector<1x1024xf32>
    %ne3A_61 = arith.constant 0.000000e+00 : f32
    %ne3A_62 = vector.broadcast %ne3A_61 : f32 to vector<1x1024xf32>
    %ne3A_63 = arith.cmpf one, %select_n3A_47, %ne3A_62 : vector<1x1024xf32>
    %and3A_64 = arith.andi %and3A_59, %ne3A_63 : vector<1x1024xi1>
    %add3A_65 = arith.addf %dot_general3A_17, %select_n3A_47 : vector<1x1024xf32>
    %tanh3A_66 = math.tanh %add3A_65 : vector<1x1024xf32>
    %select_n3A_67 = arith.select %and3A_64, %tanh3A_66, %select_n3A_47 : vector<1x1024xi1>, vector<1x1024xf32>
    %select_n3A_68 = arith.select %eq3A_52, %tanh3A_60, %select_n3A_67 : vector<1x1024xi1>, vector<1x1024xf32>
    %add3A_69 = arith.addf %dot_general3A_11, %tanh3A_49 : vector<32x32xf32>
    %tanh3A_70 = math.tanh %add3A_69 : vector<32x32xf32>
    %ne3A_71 = arith.constant 0.000000e+00 : f32
    %ne3A_72 = vector.broadcast %ne3A_71 : f32 to vector<32x32xf32>
    %ne3A_73 = arith.cmpf one, %tanh3A_49, %ne3A_72 : vector<32x32xf32>
    %convert_element_type3A_74 = arith.extui %ne3A_73 : vector<32x32xi1> to vector<32x32xi32>
    %convert_element_type3A_75 = arith.sitofp %convert_element_type3A_74 : vector<32x32xi32> to vector<32x32xf32>
    %mul3A_76 = arith.mulf %tanh3A_70, %convert_element_type3A_75 : vector<32x32xf32>
    %eq3A_77 = arith.constant 4.000000e+00 : f32
    %eq3A_78 = vector.broadcast %eq3A_77 : f32 to vector<1x1024xf32>
    %eq3A_79 = arith.cmpf oeq, %get3A_10, %eq3A_78 : vector<1x1024xf32>
    %gt3A_80 = arith.constant 0.000000e+00 : f32
    %gt3A_81 = vector.broadcast %gt3A_80 : f32 to vector<1x1024xf32>
    %gt3A_82 = arith.cmpf ogt, %get3A_10, %gt3A_81 : vector<1x1024xf32>
    %lt3A_83 = arith.constant 4.000000e+00 : f32
    %lt3A_84 = vector.broadcast %lt3A_83 : f32 to vector<1x1024xf32>
    %lt3A_85 = arith.cmpf olt, %get3A_10, %lt3A_84 : vector<1x1024xf32>
    %and3A_86 = arith.andi %gt3A_82, %lt3A_85 : vector<1x1024xi1>
    %tanh3A_87 = math.tanh %dot_general3A_17 : vector<1x1024xf32>
    %ne3A_88 = arith.constant 0.000000e+00 : f32
    %ne3A_89 = vector.broadcast %ne3A_88 : f32 to vector<1x1024xf32>
    %ne3A_90 = arith.cmpf one, %select_n3A_68, %ne3A_89 : vector<1x1024xf32>
    %and3A_91 = arith.andi %and3A_86, %ne3A_90 : vector<1x1024xi1>
    %add3A_92 = arith.addf %dot_general3A_17, %select_n3A_68 : vector<1x1024xf32>
    %tanh3A_93 = math.tanh %add3A_92 : vector<1x1024xf32>
    %select_n3A_94 = arith.select %and3A_91, %tanh3A_93, %select_n3A_68 : vector<1x1024xi1>, vector<1x1024xf32>
    %select_n3A_95 = arith.select %eq3A_79, %tanh3A_87, %select_n3A_94 : vector<1x1024xi1>, vector<1x1024xf32>
    %add3A_96 = arith.addf %dot_general3A_11, %mul3A_76 : vector<32x32xf32>
    %tanh3A_97 = math.tanh %add3A_96 : vector<32x32xf32>
    %ne3A_98 = arith.constant 0.000000e+00 : f32
    %ne3A_99 = vector.broadcast %ne3A_98 : f32 to vector<32x32xf32>
    %ne3A_100 = arith.cmpf one, %mul3A_76, %ne3A_99 : vector<32x32xf32>
    %convert_element_type3A_101 = arith.extui %ne3A_100 : vector<32x32xi1> to vector<32x32xi32>
    %convert_element_type3A_102 = arith.sitofp %convert_element_type3A_101 : vector<32x32xi32> to vector<32x32xf32>
    %mul3A_103 = arith.mulf %tanh3A_97, %convert_element_type3A_102 : vector<32x32xf32>
    %eq3A_104 = arith.constant 8.000000e+00 : f32
    %eq3A_105 = vector.broadcast %eq3A_104 : f32 to vector<1x1024xf32>
    %eq3A_106 = arith.cmpf oeq, %get3A_10, %eq3A_105 : vector<1x1024xf32>
    %gt3A_107 = arith.constant 0.000000e+00 : f32
    %gt3A_108 = vector.broadcast %gt3A_107 : f32 to vector<1x1024xf32>
    %gt3A_109 = arith.cmpf ogt, %get3A_10, %gt3A_108 : vector<1x1024xf32>
    %lt3A_110 = arith.constant 8.000000e+00 : f32
    %lt3A_111 = vector.broadcast %lt3A_110 : f32 to vector<1x1024xf32>
    %lt3A_112 = arith.cmpf olt, %get3A_10, %lt3A_111 : vector<1x1024xf32>
    %and3A_113 = arith.andi %gt3A_109, %lt3A_112 : vector<1x1024xi1>
    %tanh3A_114 = math.tanh %dot_general3A_17 : vector<1x1024xf32>
    %ne3A_115 = arith.constant 0.000000e+00 : f32
    %ne3A_116 = vector.broadcast %ne3A_115 : f32 to vector<1x1024xf32>
    %ne3A_117 = arith.cmpf one, %select_n3A_95, %ne3A_116 : vector<1x1024xf32>
    %and3A_118 = arith.andi %and3A_113, %ne3A_117 : vector<1x1024xi1>
    %add3A_119 = arith.addf %dot_general3A_17, %select_n3A_95 : vector<1x1024xf32>
    %tanh3A_120 = math.tanh %add3A_119 : vector<1x1024xf32>
    %select_n3A_121 = arith.select %and3A_118, %tanh3A_120, %select_n3A_95 : vector<1x1024xi1>, vector<1x1024xf32>
    %select_n3A_122 = arith.select %eq3A_106, %tanh3A_114, %select_n3A_121 : vector<1x1024xi1>, vector<1x1024xf32>
    %add3A_123 = arith.addf %dot_general3A_11, %mul3A_103 : vector<32x32xf32>
    %tanh3A_124 = math.tanh %add3A_123 : vector<32x32xf32>
    %ne3A_125 = arith.constant 0.000000e+00 : f32
    %ne3A_126 = vector.broadcast %ne3A_125 : f32 to vector<32x32xf32>
    %ne3A_127 = arith.cmpf one, %mul3A_103, %ne3A_126 : vector<32x32xf32>
    %convert_element_type3A_128 = arith.extui %ne3A_127 : vector<32x32xi1> to vector<32x32xi32>
    %convert_element_type3A_129 = arith.sitofp %convert_element_type3A_128 : vector<32x32xi32> to vector<32x32xf32>
    %mul3A_130 = arith.mulf %tanh3A_124, %convert_element_type3A_129 : vector<32x32xf32>
    %eq3A_131 = arith.constant 1.600000e+01 : f32
    %eq3A_132 = vector.broadcast %eq3A_131 : f32 to vector<1x1024xf32>
    %eq3A_133 = arith.cmpf oeq, %get3A_10, %eq3A_132 : vector<1x1024xf32>
    %gt3A_134 = arith.constant 0.000000e+00 : f32
    %gt3A_135 = vector.broadcast %gt3A_134 : f32 to vector<1x1024xf32>
    %gt3A_136 = arith.cmpf ogt, %get3A_10, %gt3A_135 : vector<1x1024xf32>
    %lt3A_137 = arith.constant 1.600000e+01 : f32
    %lt3A_138 = vector.broadcast %lt3A_137 : f32 to vector<1x1024xf32>
    %lt3A_139 = arith.cmpf olt, %get3A_10, %lt3A_138 : vector<1x1024xf32>
    %and3A_140 = arith.andi %gt3A_136, %lt3A_139 : vector<1x1024xi1>
    %tanh3A_141 = math.tanh %dot_general3A_17 : vector<1x1024xf32>
    %ne3A_142 = arith.constant 0.000000e+00 : f32
    %ne3A_143 = vector.broadcast %ne3A_142 : f32 to vector<1x1024xf32>
    %ne3A_144 = arith.cmpf one, %select_n3A_122, %ne3A_143 : vector<1x1024xf32>
    %and3A_145 = arith.andi %and3A_140, %ne3A_144 : vector<1x1024xi1>
    %add3A_146 = arith.addf %dot_general3A_17, %select_n3A_122 : vector<1x1024xf32>
    %tanh3A_147 = math.tanh %add3A_146 : vector<1x1024xf32>
    %select_n3A_148 = arith.select %and3A_145, %tanh3A_147, %select_n3A_122 : vector<1x1024xi1>, vector<1x1024xf32>
    %select_n3A_149 = arith.select %eq3A_133, %tanh3A_141, %select_n3A_148 : vector<1x1024xi1>, vector<1x1024xf32>
    %add3A_150 = arith.addf %dot_general3A_11, %mul3A_130 : vector<32x32xf32>
    %tanh3A_151 = math.tanh %add3A_150 : vector<32x32xf32>
    %ne3A_152 = arith.constant 0.000000e+00 : f32
    %ne3A_153 = vector.broadcast %ne3A_152 : f32 to vector<32x32xf32>
    %ne3A_154 = arith.cmpf one, %mul3A_130, %ne3A_153 : vector<32x32xf32>
    %convert_element_type3A_155 = arith.extui %ne3A_154 : vector<32x32xi1> to vector<32x32xi32>
    %convert_element_type3A_156 = arith.sitofp %convert_element_type3A_155 : vector<32x32xi32> to vector<32x32xf32>
    %mul3A_157 = arith.mulf %tanh3A_151, %convert_element_type3A_156 : vector<32x32xf32>
    %broadcast_in_dim3A_158 = arith.constant 0.000000e+00 : f32
    %broadcast_in_dim3A_159 = vector.broadcast %broadcast_in_dim3A_158 : f32 to vector<1x32xf32>
    %slice3A_160 = vector.extract_strided_slice %select_n3A_149 {offsets = [0, 0], sizes = [1, 992], strides = [1, 1]} : vector<1x1024xf32> to vector<1x992xf32>
    %concatenate3A_161 = tpu.concatenate %broadcast_in_dim3A_159, %slice3A_160 in 1 : vector<1x32xf32>, vector<1x992xf32> -> vector<1x1024xf32>
    %get3A_162 = arith.constant 0 : index
    %get3A_163 = arith.constant 0 : index
    %get3A_164 = vector.load %arg5[%get3A_162, %get3A_163] : memref<1x1024xf32, #tpu.memory_space<vmem>>, vector<1x992xf32>
    %concatenate3A_165 = tpu.concatenate %broadcast_in_dim3A_159, %get3A_164 in 1 : vector<1x32xf32>, vector<1x992xf32> -> vector<1x1024xf32>
    %iota3A_166 = tpu.iota {dimensions = array<i32: 0>} : vector<1024x1024xi32>
    %convert_element_type3A_167 = arith.sitofp %iota3A_166 : vector<1024x1024xi32> to vector<1024x1024xf32>
    %iota3A_168 = tpu.iota {dimensions = array<i32: 1>} : vector<1024x1024xi32>
    %convert_element_type3A_169 = arith.sitofp %iota3A_168 : vector<1024x1024xi32> to vector<1024x1024xf32>
    %broadcast_in_dim3A_170 = arith.constant 0.000000e+00 : f32
    %broadcast_in_dim3A_171 = vector.broadcast %broadcast_in_dim3A_170 : f32 to vector<32x992xf32>
    %concatenate3A_172 = tpu.concatenate %mul3A_157, %broadcast_in_dim3A_171 in 1 : vector<32x32xf32>, vector<32x992xf32> -> vector<32x1024xf32>
    %broadcast_in_dim3A_173 = arith.constant 0.000000e+00 : f32
    %broadcast_in_dim3A_174 = vector.broadcast %broadcast_in_dim3A_173 : f32 to vector<992x1024xf32>
    %concatenate3A_175 = tpu.concatenate %concatenate3A_172, %broadcast_in_dim3A_174 in 0 : vector<32x1024xf32>, vector<992x1024xf32> -> vector<1024x1024xf32>
    %eq3A_176 = vector.broadcast %concatenate3A_165 : vector<1x1024xf32> to vector<1024x1024xf32>
    %eq3A_177 = arith.cmpf oeq, %eq3A_176, %convert_element_type3A_167 : vector<1024x1024xf32>
    %ge3A = arith.constant 3.200000e+01 : f32
    %ge3A_178 = vector.broadcast %ge3A : f32 to vector<1024x1024xf32>
    %ge3A_179 = arith.cmpf oge, %convert_element_type3A_169, %ge3A_178 : vector<1024x1024xf32>
    %and3A_180 = arith.andi %eq3A_177, %ge3A_179 : vector<1024x1024xi1>
    %jit3A = arith.constant 0.000000e+00 : f32
    %broadcast_in_dim3A_181 = vector.shape_cast %concatenate3A_161 : vector<1x1024xf32> to vector<1x1024xf32>
    %broadcast_in_dim3A_182 = vector.broadcast %broadcast_in_dim3A_181 : vector<1x1024xf32> to vector<1024x1024xf32>
    %broadcast_in_dim3A_183 = vector.broadcast %jit3A : f32 to vector<1024x1024xf32>
    %select_n3A_184 = arith.select %and3A_180, %broadcast_in_dim3A_182, %broadcast_in_dim3A_183 : vector<1024x1024xi1>, vector<1024x1024xf32>
    %add3A_185 = arith.addf %concatenate3A_175, %select_n3A_184 : vector<1024x1024xf32>
    %swap3A = arith.constant 0 : index
    %swap3A_186 = arith.constant 0 : index
    %swap3A_187 = vector.load %arg8[%swap3A, %swap3A_186] : memref<1040x1024xf32, #tpu.memory_space<vmem>>, vector<1024x1024xf32>
    tpu.vector_store %arg8[%swap3A, %swap3A_186], %add3A_185 {strides = array<i32>} : memref<1040x1024xf32, #tpu.memory_space<vmem>>, vector<1024x1024xf32>,
    %broadcast_in_dim3A_188 = arith.constant 0.000000e+00 : f32
    %broadcast_in_dim3A_189 = vector.broadcast %broadcast_in_dim3A_188 : f32 to vector<16x1024xf32>
    %swap3A_190 = arith.constant 1024 : index
    %swap3A_191 = arith.constant 0 : index
    %swap3A_192 = vector.load %arg8[%swap3A_190, %swap3A_191] : memref<1040x1024xf32, #tpu.memory_space<vmem>>, vector<16x1024xf32>
    tpu.vector_store %arg8[%swap3A_190, %swap3A_191], %broadcast_in_dim3A_189 {strides = array<i32>} : memref<1040x1024xf32, #tpu.memory_space<vmem>>, vector<16x1024xf32>,
    %get3A_193 = arith.constant 0 : index
    %get3A_194 = arith.constant 0 : index
    %get3A_195 = vector.load %arg3[%get3A_193, %get3A_194] : memref<32x64xf32, #tpu.memory_space<vmem>>, vector<32x64xf32>
    %broadcast_in_dim3A_196 = arith.constant 1.000000e+00 : f32
    %broadcast_in_dim3A_197 = vector.broadcast %broadcast_in_dim3A_196 : f32 to vector<32x1xf32>
    %broadcast_in_dim3A_198 = arith.constant 0.000000e+00 : f32
    %broadcast_in_dim3A_199 = vector.broadcast %broadcast_in_dim3A_198 : f32 to vector<32x959xf32>
    %concatenate3A_200 = tpu.concatenate %broadcast_in_dim3A_197, %get3A_195, %broadcast_in_dim3A_199 in 1 : vector<32x1xf32>, vector<32x64xf32>, vector<32x959xf32> -> vector<32x1024xf32>
    %get3A_201 = arith.constant 0 : index
    %get3A_202 = arith.constant 0 : index
    %get3A_203 = vector.load %arg8[%get3A_201, %get3A_202] : memref<1040x1024xf32, #tpu.memory_space<vmem>>, vector<1024x1024xf32>
    %dot_general3A_204 = arith.constant dense<0.000000e+00> : vector<32x1024xf32>
    %dot_general3A_205 = tpu.matmul %concatenate3A_200, %get3A_203, %dot_general3A_204 {dimension_numbers = #tpu.dot_dimension_numbers<[1], [1], [0], [0], [0, 0, 1, 0], [], []>, transpose_lhs_hint = false} : vector<32x1024xf32>, vector<1024x1024xf32>, vector<32x1024xf32> -> vector<32x1024xf32>
    %tanh3A_206 = math.tanh %dot_general3A_205 : vector<32x1024xf32>
    %slice3A_207 = vector.extract_strided_slice %tanh3A_206 {offsets = [0, 65], sizes = [32, 959], strides = [1, 1]} : vector<32x1024xf32> to vector<32x959xf32>
    %concatenate3A_208 = tpu.concatenate %broadcast_in_dim3A_197, %get3A_195, %slice3A_207 in 1 : vector<32x1xf32>, vector<32x64xf32>, vector<32x959xf32> -> vector<32x1024xf32>
    %get3A_209 = arith.constant 1024 : index
    %get3A_210 = arith.constant 0 : index
    %get3A_211 = vector.load %arg8[%get3A_209, %get3A_210] : memref<1040x1024xf32, #tpu.memory_space<vmem>>, vector<16x1024xf32>
    %dot_general3A_212 = arith.constant dense<0.000000e+00> : vector<32x16xf32>
    %dot_general3A_213 = tpu.matmul %concatenate3A_208, %get3A_211, %dot_general3A_212 {dimension_numbers = #tpu.dot_dimension_numbers<[1], [1], [0], [0], [0, 0, 1, 0], [], []>, transpose_lhs_hint = false} : vector<32x1024xf32>, vector<16x1024xf32>, vector<32x16xf32> -> vector<32x16xf32>
    %tanh3A_214 = math.tanh %dot_general3A_213 : vector<32x16xf32>
    %swap3A_215 = arith.constant 0 : index
    %swap3A_216 = arith.constant 0 : index
    %swap3A_217 = vector.load %arg7[%swap3A_215, %swap3A_216] : memref<32x16xf32, #tpu.memory_space<vmem>>, vector<32x16xf32>
    tpu.vector_store %arg7[%swap3A_215, %swap3A_216], %tanh3A_214 {strides = array<i32>} : memref<32x16xf32, #tpu.memory_space<vmem>>, vector<32x16xf32>,
    return
  }
  func.func @transform_0(%arg0: i32) -> (i32, i32) {
    %c0_i32 = arith.constant 0 : i32
    %c0_i32_0 = arith.constant 0 : i32
    %c0_i32_1 = arith.constant 0 : i32
    return %c0_i32, %c0_i32_0 : i32, i32
  }
  func.func @transform_1(%arg0: i32) -> (i32, i32) {
    %c0_i32 = arith.constant 0 : i32
    %c0_i32_0 = arith.constant 0 : i32
    %c0_i32_1 = arith.constant 0 : i32
    return %c0_i32, %c0_i32_0 : i32, i32
  }
  func.func @transform_2(%arg0: i32) -> (i32, i32) {
    %c0_i32 = arith.constant 0 : i32
    %c0_i32_0 = arith.constant 0 : i32
    %c0_i32_1 = arith.constant 0 : i32
    return %c0_i32, %c0_i32_0 : i32, i32
  }
  func.func @transform_3(%arg0: i32) -> (i32, i32) {
    %c0_i32 = arith.constant 0 : i32
    %c0_i32_0 = arith.constant 0 : i32
    %c0_i32_1 = arith.constant 0 : i32
    return %c0_i32, %c0_i32_0 : i32, i32
  }
  func.func @transform_4(%arg0: i32) -> (i32, i32) {
    %c0_i32 = arith.constant 0 : i32
    %c0_i32_0 = arith.constant 0 : i32
    %c0_i32_1 = arith.constant 0 : i32
    return %c0_i32, %c0_i32_0 : i32, i32
  }
  func.func @transform_5(%arg0: i32) -> (i32, i32) {
    %c0_i32 = arith.constant 0 : i32
    %c0_i32_0 = arith.constant 0 : i32
    %c0_i32_1 = arith.constant 0 : i32
    return %c0_i32, %c0_i32_0 : i32, i32
  }
  func.func @transform_6(%arg0: i32) -> (i32, i32) {
    %c0_i32 = arith.constant 0 : i32
    %c0_i32_0 = arith.constant 0 : i32
    %c0_i32_1 = arith.constant 0 : i32
    return %c0_i32, %c0_i32_0 : i32, i32
  }
}

</mosaic_0001>

<sc_bundles>
// kernel: kernel.4.cloned.1.call-start
scs
__scs_entry_jumppad:
0x0: {  	(pc) =	sbr.rel $0x88, $3  }
0x1: {  	(tag) =	ssettag $0x0;
	lr =	simm.s32 $0x1  }
0x2: {  	[smem:$0x3F9D] =	sst lr;
	_ =	strace $0xD0000000  }
0x3: {  	_ = 	snop  }
0x4: {  	_ = 	snop  }
0x5: {  	_ = 	snop  }
0x6: {  	_ = 	snop  }
0x7: {  	_ = 	snop  }
__scs_overlays_trampoline_lowered:
0x8: {  	[smem:$0x3FAC] =	sst s0  }
0x9: {  	[smem:$0x3FAD] =	sst s1  }
0xa: {  	[smem:$0x3FAE] =	sst s2  }
0xb: {  	[smem:$0x3FAF] =	sst s3  }
0xc: {  	[smem:$0x3FB0] =	sst s4  }
0xd: {  	[smem:$0x3FB1] =	sst s5  }
0xe: {  	[smem:$0x3FB2] =	sst s6  }
0xf: {  	[smem:$0x3FB3] =	sst s7  }
0x10: {  	[smem:$0x3FB4] =	sst s8  }
0x11: {  	[smem:$0x3FB5] =	sst s9;
	s0 =	simm.s32 @!p0 $0x0  }
0x12: {  	s1 =	sld [smem:$0x3F9B];
	s0 =	simm.s32 @p0 $0x1  }
0x13: {  	[smem:$0x3FB6] =	sst s0;
	s0 =	simm.s32 @!p1 $0x0  }
0x14: {  	s2 =	sld [smem:$0x3F9A];
	s0 =	simm.s32 @p1 $0x1  }
0x15: {  	[smem:$0x3FB7] =	sst s0;
	s0 =	simm.s32 @!p2 $0x0  }
0x16: {  	s3 =	sld [smem:$0x3FDB];
	s0 =	simm.s32 @p2 $0x1  }
0x17: {  	s4 =	simm.s32 $0x1BF5;
	[smem:$0x3FB9] =	sst s0  }
0x18: {  	s0 =	sld [smem:$0x3F9C];
	_ =	swait.ge [sflag:s4], $0x0  }
0x19: {  	s7 =	sld [smem:$0x3F9D]  }
0x1a: {  	s8 =	sadd.s32 $0xFFFFE003, lr  }
0x1b: {  	s9 =	sadd.s32 $0xFFFFFEF7, lr;
	s5 =	simm.s32 $0xFFFFFFFF;
	p2 =	slt.u32 s8, $0xFFFFF086  }
0x1c: {  	p1 =	slt.u32 s9, $0xF7A;
	s5 =	simm.s32 @!p2 $0x0  }
0x1d: {  	s5 =	simm.s32 @p1 $0x1;
	p0 =	seq.s32 s7, s2  }
0x1e: {  	s7 =	smul.u32 @!p0 $0xF7A, s2;
	p2 =	seq.s32 @!p0 s5, $0x0  }
0x1f: {  	s9 =	smul.u32 $0xF7A, s1;
	s8 =	simm.s32 @!p0 $0x1BF5;
	p2 =	por !p2, p0  }
0x20: {  	[sflag:s8] =	ssyncset.s32 @!p0 $0xFFFFF086;
	s6 =	sadd.s32 @!p0 s3, s7;
	s7 =	simm.s32 @!p0 $0x108  }
0x21: {  	s3 =	sadd.s32 s3, s9;
	s6 =	sadd.s32 @!p0 $0x88, s6;
	s7 =	simm.s32 @p2 $0x1082  }
0x22: {  	[simem:s7], [sflag:s8] =	dma.local @!p0 [hbm:s6], $0xF7A  }
0x23: {  	s9 =	sor.u32 $0xD0000000, s2;
	s6 =	simm.s32 $0x108;
	_ =	swait.ge @!p0 [sflag:s8], $0x0  }
0x24: {  	s3 =	sadd.s32 $0x88, s3;
	s6 =	simm.s32 @!p1 $0x1082;
	[sflag:s4] =	ssyncset.s32 $0xFFFFF086  }
0x25: {  	[simem:s6], [sflag:s4] =	dma.local [hbm:s3], $0xF7A  }
0x26: {  	[smem:$0x3F9D] =	sst s1;
	(tag) =	ssettag s2;
	_ =	strace s9  }
0x27: {  	s1 =	sld [smem:$0x3FAD]  }
0x28: {  	s2 =	sld [smem:$0x3FAE]  }
0x29: {  	s4 =	sld [smem:$0x3FB0]  }
0x2a: {  	p0 =	seq.s32 s5, $0x0;
	s5 =	sld [smem:$0x3FB1]  }
0x2b: {  	s6 =	sld [smem:$0x3FB2]  }
0x2c: {  	s7 =	sld [smem:$0x3FB3]  }
0x2d: {  	s3 =	simm.s32 $0x108;
	s8 =	sld [smem:$0x3FB4]  }
0x2e: {  	s3 =	simm.s32 @!p0 $0x1082;
	s9 =	sld [smem:$0x3FB5]  }
0x2f: {  	lr =	sadd.s32 s0, s3;
	s0 =	sld [smem:$0x3FAC]  }
0x30: {  	s3 =	sld [smem:$0x3FAF]  }
0x31: {  	[smem:$0x3FB8] =	sst s10  }
0x32: {  	s10 =	sld [smem:$0x3FB6];
	_ =	sdelay $0x3  }
0x33: {  	p0 =	seq.s32 s10, $0x1;
	s10 =	sld [smem:$0x3FB8];
	_ =	sdelay $0x3  }
0x34: {  	[smem:$0x3FB8] =	sst s10  }
0x35: {  	s10 =	sld [smem:$0x3FB7];
	_ =	sdelay $0x3  }
0x36: {  	p1 =	seq.s32 s10, $0x1;
	s10 =	sld [smem:$0x3FB8];
	_ =	sdelay $0x3  }
0x37: {  	[smem:$0x3FB8] =	sst s10  }
0x38: {  	s10 =	sld [smem:$0x3FB9]  }
0x39: {  	_ = 	snop;
	(pc) =	sbr.ind lr, $3  }
0x3a: {  	_ = 	snop  }
0x3b: {  	_ = 	snop  }
0x3c: {  	p2 =	seq.s32 s10, $0x1;
	s10 =	sld [smem:$0x3FB8]  }
0x3d: {  	_ =	shalt  }
0x3e: {  	_ =	shalt  }
0x3f: {  	_ =	shalt  }
0x40: {  	_ =	shalt  }
0x41: {  	_ =	shalt  }
0x42: {  	_ =	shalt  }
0x43: {  	_ =	shalt  }
0x44: {  	_ =	shalt  }
0x45: {  	_ =	shalt  }
0x46: {  	_ =	shalt  }
0x47: {  	_ =	shalt  }
0x48: {  	_ =	shalt  }
0x49: {  	_ =	shalt  }
0x4a: {  	_ =	shalt  }
0x4b: {  	_ =	shalt  }
0x4c: {  	_ =	shalt  }
0x4d: {  	_ =	shalt  }
0x4e: {  	_ =	shalt  }
0x4f: {  	_ =	shalt  }
0x50: {  	_ =	shalt  }
0x51: {  	_ =	shalt  }
0x52: {  	_ =	shalt  }
0x53: {  	_ =	shalt  }
0x54: {  	_ =	shalt  }
0x55: {  	_ =	shalt  }
0x56: {  	_ =	shalt  }
0x57: {  	_ =	shalt  }
0x58: {  	_ =	shalt  }
0x59: {  	_ =	shalt  }
0x5a: {  	_ =	shalt  }
0x5b: {  	_ =	shalt  }
0x5c: {  	_ =	shalt  }
0x5d: {  	_ =	shalt  }
0x5e: {  	_ =	shalt  }
0x5f: {  	_ =	shalt  }
0x60: {  	_ =	shalt  }
0x61: {  	_ =	shalt  }
0x62: {  	_ =	shalt  }
0x63: {  	_ =	shalt  }
0x64: {  	_ =	shalt  }
0x65: {  	_ =	shalt  }
0x66: {  	_ =	shalt  }
0x67: {  	_ =	shalt  }
0x68: {  	_ =	shalt  }
0x69: {  	_ =	shalt  }
0x6a: {  	_ =	shalt  }
0x6b: {  	_ =	shalt  }
0x6c: {  	_ =	shalt  }
0x6d: {  	_ =	shalt  }
0x6e: {  	_ =	shalt  }
0x6f: {  	_ =	shalt  }
0x70: {  	_ =	shalt  }
0x71: {  	_ =	shalt  }
0x72: {  	_ =	shalt  }
0x73: {  	_ =	shalt  }
0x74: {  	_ =	shalt  }
0x75: {  	_ =	shalt  }
0x76: {  	_ =	shalt  }
0x77: {  	_ =	shalt  }
0x78: {  	_ =	shalt  }
0x79: {  	_ =	shalt  }
0x7a: {  	_ =	shalt  }
0x7b: {  	_ =	shalt  }
0x7c: {  	_ =	shalt  }
0x7d: {  	_ =	shalt  }
0x7e: {  	_ =	shalt  }
0x7f: {  	_ =	shalt  }
0x80: {  	_ =	shalt  }
0x81: {  	_ =	shalt  }
0x82: {  	_ =	shalt  }
0x83: {  	_ =	shalt  }
0x84: {  	_ =	shalt  }
0x85: {  	_ =	shalt  }
0x86: {  	_ =	shalt  }
0x87: {  	_ =	shalt  }
.Lfunc_end0:
.L_simem_size_0:
called_computation_lowered:
.L_overlay_start_0:
0x88: {  	s2 =	sld [smem:$0x3FD9]  }
0x89: {  	s3 =	sld [smem:$0x3FFE];
	_ =	sdelay $0x1  }
0x8a: {  	s1 =	srdreg.scid  }
0x8b: {  	s0 =	sand.u32 $0x1, s1  }
0x8c: {  	s17 =	sshll.u32 s0, $0xA;
	s2 =	sadd.s32 s3, s2  }
0x8d: {  	s2 =	sadd.s32 s2, s17  }
0x8e: {  	[smem:$0x3FC4] =	sst s2  }
0x8f: {  	_ = 	snop  }
0x90: {  	s2 =	sld [smem:$0x3FD0];
	(tm) =	ssettm $0x1  }
0x91: {  	s18 =	sld [smem:$0x3FFB];
	_ =	sdelay $0x3  }
0x92: {  	_ =	strace s18  }
0x93: {  	s3 =	sld [smem:$0x3FFC];
	_ =	sdelay $0x3  }
0x94: {  	_ =	strace s3  }
0x95: {  	s3 =	sld [smem:$0x3FFD];
	_ =	sdelay $0x3  }
0x96: {  	_ =	strace s3  }
0x97: {  	_ =	strace $0x8FFFFFFF  }
0x98: {  	s19 =	sld [smem:$0x3FDB];
	_ =	sdelay $0x1  }
0x99: {  	s4 =	simm.s32 $_scs_section_size  }
0x9a: {  	s5 =	simm.s32 $_size__tile_overlayer_lowered;
	s6 =	simm.s32 $_tile_overlayer_lowered  }
0x9b: {  	s22 =	simm.s32 $0x1BFF;
	s21 =	sshll.u32 s6, $0x1;
	s3 =	sadd.s32 s4, s19  }
0x9c: {  	s7 =	simm.s32 $0x0;
	s20 =	sshll.u32 s5, $0x1;
	s5 =	sadd.s32 s21, s3  }
0x9d: {  	[timem:s7], [sflag:s22] =	dma.local [hbm:s5], s20  }
0x9e: {  	_ =	swait.ge [sflag:s22], s20  }
0x9f: {  	s4 =	ssub.s32 $0x0, s20;
	[sflag:s22] =	ssyncset.done $0x0  }
0xa0: {  	[sflag:s22] =	ssyncadd.s32 s4;
	_ =	sdelay $0x1  }
0xa1: {  	s23 =	simm.s32 $0x1B8B  }
0xa2: {  	_ =	swait.ge [sflag:s23], $0x1  }
0xa3: {  	[sflag:s23] =	ssyncset.done $0x0  }
0xa4: {  	s25 =	simm.s32 $0x1B8E;
	s24 =	sld [smem:$0x3FFE];
	[sflag:s23] =	ssyncadd.s32 $0xFFFFFFFF  }
0xa5: {  	s26 =	simm.s32 $execute0_lowered;
	[smem:$0x3FD2] =	sst s25  }
0xa6: {  	s5 =	sshll.u32 s26, $0x1;
	_ =	strace $0x80000046;
	[dreg:$0x1] =	wrdreg $0xFFFFFFFF  }
0xa7: {  	s28 =	simm.s32 $_size_execute0_lowered;
	s3 =	sadd.s32 s3, s5;
	[dreg:$0x0] =	wrdreg $0x0  }
0xa8: {  	s5 =	sshll.u32 s28, $0x1;
	[dreg:$0x2] =	wrdreg s3  }
0xa9: {  	[dreg:$0x3] =	wrdreg s5  }
0xaa: {  	[dreg:$0x4] =	wrdreg $0xC0  }
0xab: {  	_ =	task [dreg:s7], $0x5FFFF  }
0xac: {  	[dreg:$0x1] =	wrdreg $0xFFFFFFFF  }
0xad: {  	[dreg:$0x0] =	wrdreg $0x60  }
0xae: {  	[dreg:$0x2] =	wrdreg s24  }
0xaf: {  	[dreg:$0x3] =	wrdreg s2  }
0xb0: {  	[dreg:$0x4] =	wrdreg $0x9  }
0xb1: {  	_ =	task.clear_ibuf [dreg:s7], $0x5FFFF;
	_ =	strace $0x90000046  }
0xb2: {  	s29 =	simm.s32 $0x9;
	_ =	strace $0x80000048  }
0xb3: {  	_ =	swait.ge [sflag:s29], $0x1  }
0xb4: {  	[sflag:s29] =	ssyncadd.s32 $0xFFFFFFFF  }
0xb5: {  	_ =	strace $0x90000048  }
0xb6: {  	_ =	sfence  }
0xb7: {  	s30 =	sld [smem:$0x0];
	_ =	sdelay $0x2  }
0xb8: {  	s31 =	sshll.u32 s1, $0xD;
	s1 =	sshrl.u32 s1, $0x2  }
0xb9: {  	s3 =	sand.u32 $0x4000, s31;
	s1 =	sadd.s32 s1, s30  }
0xba: {  	s0 =	sor.u32 s3, s0;
	s1 =	sshll.u32 s1, $0x11  }
0xbb: {  	s0 =	sor.u32 s1, s0  }
0xbc: {  	s0 =	sadd.s32 $0x8F2B, s0  }
0xbd: {  	[sflag:s0] =	ssyncadd.remote.s32 $0x1  }
0xbe: {  	_ =	sfence.sel $0xFFFF  }
0xbf: {  	[dreg:$0x0] =	wrdreg $0xFFFFFFFF;
	(pc) =	sbr.abs _section_cstart, $3  }
0xc0: {  	[dreg:$0x1] =	wrdreg $0xFFFFFFFF  }
0xc1: {  	_ =	task.clear_ibuf [dreg:s7], $0x2FFFF;
	_ =	strace $0x9FFFFFFF  }
0xc2: {  	(tm) =	ssettm $0x7FFFFFFF  }
0xc3: {  	_ =	shalt  }
tec
execute0_lowered:
.L_overlay_start_1:
0x0: {  	(tag) =	ssettag $0x1  }
0x1: {  	s3 =	rddreg [dreg:$0x0]  }
0x2: {  	s4 =	rddreg [dreg:$0x1];
	s5 =	srdreg.scid  }
0x3: {  	s1 =	simm.s32 $0x0;
	s0 =	stileid.u32;
	s29 =	simm.s32 $0x100  }
0x4: {  	s30 =	simm.s32 $0x180;
	[smem:$0x7FF] =	sst s1;
	s25 =	sadd.s32 $0x1200, s3  }
0x5: {  	s5 =	sand.u32 $0x1, s5;
	_ =	strace $0x80000047;
	[dreg:$0x3] =	wrdreg s25  }
0x6: {  	s7 =	sshll.u32 s0, $0x5;
	s6 =	sshll.u32 s5, $0x9;
	[dreg:$0x5] =	wrdreg s29  }
0x7: {  	v0 =	vlaneseq.u32;
	v5 =	vimm.s32 $0x0;
	s31 =	simm.s32 $0x200;
	vm4 =	vcmask $0x704;
	[dreg:$0x7] =	wrdreg s30;
	s6 =	sor.u32 s7, s6  }
0x8: {  	vm5 =	vcmask $0xB08;
	vm6 =	vcmask $0xF0C;
	vm7 =	vcmask $0x1310;
	s5 =	ssub.s32 $0x2, s5;
	[dreg:$0x9] =	wrdreg s31;
	s8 =	sshrl.u32 s6, $0x3  }
0x9: {  	vm8 =	vcmask $0x1714;
	vm9 =	vcmask $0x1B18;
	vm10 =	vcmask $0x1F1C;
	s28 =	sshrl.u32 s5, $0x1;
	s3 =	sadd.s32 s8, s3;
	s4 =	sadd.s32 s4, s8  }
0xa: {  	vm12 =	vcmask $0x2724;
	vm13 =	vcmask $0x2B28;
	vm14 =	vcmask $0x2F2C;
	s9 =	sor.u32 $0x10, s6;
	[dreg:$0x4] =	wrdreg s4;
	s26 =	sadd.s32 $0x1400, s3  }
0xb: {  	v4 =	vor.u32 $0x20, v0;
	v6 =	vor.u32 $0x10, v0;
	v1 =	vor.u32 s6, v0;
	s3 =	sadd.s32 $0x1600, s3;
	s4 =	ssub.s32 s5, s28;
	[dreg:$0x6] =	wrdreg s26  }
0xc: {  	v2 =	vadd.s32 s6, v4;
	v3 =	vor.u32 s9, v0;
	v4 =	vadd.s32 s9, v4;
	[dreg:$0x8] =	wrdreg s3;
	s0 =	smax.u32 s4, $0x1  }
.LBB2_1:
0xd: {  	[dreg:$0xa] =	wrdreg s0  }
0xe: {  	s6 =	rddreg [dreg:$0x3];
	s8 =	simm.s32 $0x0;
	s9 =	simm.s32 $0x1  }
0xf: {  	[tilespmem:s8], [sflag:$0x1] =	stream.linear.gather [hbm4b:s6+s8], $0x80, $0x38;
	[tilespmem:$0x280] =	vst v63  }
0x10: {  	_ =	swait.ge [sflag:s9], $0x80  }
0x11: {  	[sflag:s9] =	ssyncset.done $0x0  }
0x12: {  	[sflag:s9] =	ssyncadd.s32 $0xFFFFFF80  }
0x13: {  	v7 =	vld [tilespmem:$0x0];
	_ =	sdelay $0x4  }
0x14: {  	v7 =	vsub.f32 $0.0e+00, v7;
	_ =	sdelay $0x1  }
0x15: {  	v7 =	vmul.f32 $1.442695020e+00, v7;
	_ =	sdelay $0x1  }
0x16: {  	(erf) = vpow2.f32 v7;
	_ =	sdelay $0x8  }
0x17: {  	v7 =	vpop (erf)  }
0x18: {  	v7 =	vadd.f32 $1.000000000e+00, v7;
	_ =	sdelay $0x1  }
0x19: {  	(erf) = vrcp.f32 v7;
	_ =	sdelay $0x8  }
0x1a: {  	v7 =	vpop (erf)  }
0x1b: {  	vm15 =	vgt.f32 v7, $5.000000000e-01  }
0x1c: {  	v8 =	vsel vm15, $0x1, v5  }
0x1d: {  	(xrf0) =	vadd.scan.msk.s32 $0xffff, v8;
	_ =	sdelay $0x5  }
0x1e: {  	v7, _, _ =	vpop (xrf0)  }
0x1f: {  	v8 =	vsub.s32 v7, v8;
	_ =	sdelay $0x3  }
0x20: {  	s10 =	simm.s32 $0x80;
	[tilespmem:$0x80] =	vst v5  }
0x21: {  	[tilespmem:v8+s10+$0x0] =	vst.idx.msk vm15, v0  }
0x22: {  	v8 =	vld [tilespmem:$0x10];
	_ =	sdelay $0x4  }
0x23: {  	v8 =	vsub.f32 $0.0e+00, v8;
	_ =	sdelay $0x1  }
0x24: {  	v8 =	vmul.f32 $1.442695020e+00, v8;
	_ =	sdelay $0x1  }
0x25: {  	(erf) = vpow2.f32 v8;
	_ =	sdelay $0x8  }
0x26: {  	v8 =	vpop (erf)  }
0x27: {  	v8 =	vadd.f32 $1.000000000e+00, v8;
	_ =	sdelay $0x1  }
0x28: {  	(erf) = vrcp.f32 v8;
	_ =	sdelay $0x8  }
0x29: {  	v8 =	vpop (erf)  }
0x2a: {  	vm15 =	vgt.f32 v8, $5.000000000e-01  }
0x2b: {  	v8 =	vsel vm15, $0x1, v5  }
0x2c: {  	(xrf0) =	vadd.scan.msk.s32 $0xffff, v8;
	_ =	sdelay $0x5  }
0x2d: {  	(v2sf) =	vpush v7, $0xF;
	v8, _, _ =	vpop (xrf0)  }
0x2e: {  	(v2sf) =	vpush v8, $0xF;
	_ =	sdelay $0xd  }
0x2f: {  	s11 =	spop (v2sf)  }
0x30: {  	s7 =	spop (v2sf)  }
0x31: {  	s6 =	sadd.s32 s11, s7  }
0x32: {  	p0 =	sgt.s32 s6, $0x1;
	s7 =	smov.u32 s6  }
0x33: {  	s7 =	simm.s32 @!p0 $0x1  }
0x34: {  	(v2sf) =	vpush v1, $0x0;
	v9 =	vmov s7  }
0x35: {  	(v2sf) =	vpush v9, $0x0  }
0x36: {  	(v2sf) =	vpush v1, $0xF  }
0x37: {  	(v2sf) =	vpush v9, $0xF  }
0x38: {  	(v2sf) =	vpush v1, $0x1  }
0x39: {  	(v2sf) =	vpush v9, $0x1  }
0x3a: {  	(v2sf) =	vpush v1, $0x2  }
0x3b: {  	(v2sf) =	vpush v9, $0x2  }
0x3c: {  	(v2sf) =	vpush v1, $0x3  }
0x3d: {  	(v2sf) =	vpush v9, $0x3  }
0x3e: {  	(v2sf) =	vpush v1, $0x4  }
0x3f: {  	(v2sf) =	vpush v9, $0x4;
	_ =	sdelay $0x1  }
0x40: {  	(v2sf) =	vpush v1, $0x5  }
0x41: {  	(v2sf) =	vpush v9, $0x5  }
0x42: {  	s12 =	spop (v2sf);
	(v2sf) =	vpush v1, $0x6  }
0x43: {  	s17 =	spop (v2sf)  }
0x44: {  	(v2sf) =	vpush v9, $0x6;
	s8 =	spop (v2sf)  }
0x45: {  	(drf) =	srem.u32 s12, s17;
	s18 =	spop (v2sf)  }
0x46: {  	(v2sf) =	vpush v1, $0x7;
	s11 =	spop (v2sf)  }
0x47: {  	(v2sf) =	vpush v9, $0x7;
	s19 =	spop (v2sf)  }
0x48: {  	s23 =	spop (v2sf)  }
0x49: {  	(v2sf) =	vpush v1, $0x8;
	(drf) =	srem.u32 s8, s18;
	s20 =	spop (v2sf)  }
0x4a: {  	(v2sf) =	vpush v9, $0x8;
	s24 =	spop (v2sf)  }
0x4b: {  	(drf) =	srem.u32 s11, s19;
	s21 =	spop (v2sf)  }
0x4c: {  	(v2sf) =	vpush v1, $0x9;
	s25 =	spop (v2sf)  }
0x4d: {  	(v2sf) =	vpush v9, $0x9;
	s22 =	spop (v2sf)  }
0x4e: {  	(drf) =	srem.u32 s23, s20;
	s9 =	spop (drf)  }
0x4f: {  	(v2sf) =	vpush v1, $0xA;
	s26 =	spop (v2sf)  }
0x50: {  	(v2sf) =	vpush v9, $0xA;
	(drf) =	srem.u32 s24, s21;
	s16 =	spop (v2sf)  }
0x51: {  	(v2sf) =	vpush v1, $0xB;
	(drf) =	srem.u32 s25, s22;
	s10 =	spop (v2sf)  }
0x52: {  	(v2sf) =	vpush v9, $0xB;
	(drf) =	srem.u32 s26, s16;
	s26 =	spop (drf)  }
0x53: {  	(v2sf) =	vpush v1, $0xC;
	s13 =	spop (v2sf)  }
0x54: {  	s8 =	spop (drf)  }
0x55: {  	(v2sf) =	vpush v9, $0xC;
	s29 =	spop (v2sf)  }
0x56: {  	s4 =	spop (v2sf)  }
0x57: {  	(v2sf) =	vpush v1, $0xD;
	s7 =	spop (drf)  }
0x58: {  	s30 =	spop (v2sf)  }
0x59: {  	(v2sf) =	vpush v9, $0xD;
	s3 =	spop (v2sf)  }
0x5a: {  	(v2sf) =	vpush v1, $0xE;
	(drf) =	srem.u32 s10, s13;
	s10 =	spop (drf)  }
0x5b: {  	(v2sf) =	vpush v9, $0xE;
	s31 =	spop (v2sf)  }
0x5c: {  	(v2sf) =	vpush v3, $0x0;
	s2 =	spop (v2sf)  }
0x5d: {  	(drf) =	srem.u32 s29, s4;
	s29 =	spop (drf)  }
0x5e: {  	s15 =	spop (v2sf)  }
0x5f: {  	(v2sf) =	vpush v3, $0xF;
	(drf) =	srem.u32 s30, s3;
	s5 =	spop (v2sf)  }
0x60: {  	(drf) =	srem.u32 s31, s2;
	s14 =	spop (v2sf)  }
0x61: {  	(v2sf) =	vpush v3, $0x1;
	(drf) =	srem.u32 s15, s5;
	s1 =	spop (v2sf)  }
0x62: {  	(v2sf) =	vpush v3, $0x2;
	[dreg:$0xb] =	wrdreg s1;
	s11 =	spop (v2sf)  }
0x63: {  	(drf) =	srem.u32 s14, s1;
	s1 =	spop (drf)  }
0x64: {  	(v2sf) =	vpush v3, $0x3;
	s12 =	spop (v2sf)  }
0x65: {  	[dreg:$0xe] =	wrdreg s3;
	(v2sf) =	vpush v3, $0x4;
	s3 =	spop (drf)  }
0x66: {  	s23 =	spop (v2sf)  }
0x67: {  	[dreg:$0xf] =	wrdreg s4;
	s4 =	spop (drf)  }
0x68: {  	vm3 =	vcmask $0x300;
	v54 =	vmov s26;
	s0 =	spop (v2sf)  }
0x69: {  	v9 =	vsel vm3, s9, v54;
	s24 =	spop (v2sf);
	(v2sf) =	vpush v3, $0x5  }
0x6a: {  	[dreg:$0x10] =	wrdreg s13;
	v9 =	vsel vm4, s8, v9;
	s28 =	spop (v2sf);
	(v2sf) =	vpush v3, $0x6  }
0x6b: {  	v9 =	vsel vm5, s7, v9;
	[dreg:$0xd] =	wrdreg s2;
	s25 =	spop (v2sf);
	(v2sf) =	vpush v3, $0x7  }
0x6c: {  	v9 =	vsel vm6, s10, v9;
	(drf) =	srem.u32 s11, s12;
	s8 =	spop (drf)  }
0x6d: {  	v9 =	vsel vm7, s29, v9;
	(drf) =	srem.u32 s23, s0;
	s9 =	spop (drf)  }
0x6e: {  	v9 =	vsel vm8, s1, v9;
	(drf) =	srem.u32 s24, s28;
	s13 =	spop (v2sf)  }
0x6f: {  	v9 =	vsel vm9, s3, v9;
	(drf) =	srem.u32 s25, s17;
	s17 =	spop (drf)  }
0x70: {  	vm11 =	vcmask $0x2320;
	[dreg:$0xc] =	wrdreg s5;
	v9 =	vsel vm10, s4, v9;
	s30 =	spop (v2sf)  }
0x71: {  	s15 =	smul.u32 $0x1F, s6;
	v9 =	vsel vm11, s8, v9;
	(v2sf) =	vpush v3, $0x8;
	s31 =	spop (v2sf)  }
0x72: {  	v9 =	vsel vm12, s9, v9;
	s9 =	rddreg [dreg:$0x10];
	(v2sf) =	vpush v3, $0x9;
	s29 =	spop (drf)  }
0x73: {  	(drf) =	srem.u32 s13, s18;
	(v2sf) =	vpush v3, $0xA;
	s5 =	spop (v2sf)  }
0x74: {  	(drf) =	srem.u32 s30, s19;
	(v2sf) =	vpush v3, $0xB;
	s11 =	spop (v2sf)  }
0x75: {  	s14 =	smov.u32 s0;
	s0 =	spop (drf);
	(drf) =	srem.u32 s31, s20  }
0x76: {  	v9 =	vsel vm13, s17, v9;
	(drf) =	srem.u32 s5, s21;
	s2 =	spop (drf)  }
0x77: {  	s24 =	rddreg [dreg:$0xc];
	v9 =	vsel vm14, s29, v9;
	s29 =	spop (drf)  }
0x78: {  	s18 =	smul.u32 $0x3, s6;
	s23 =	spop (v2sf);
	(v2sf) =	vpush v3, $0xC  }
0x79: {  	s17 =	smul.u32 $0x7, s6;
	s26 =	spop (v2sf);
	(v2sf) =	vpush v3, $0xD  }
0x7a: {  	s13 =	rddreg [dreg:$0xf];
	s1 =	spop (v2sf);
	(v2sf) =	vpush v3, $0xE  }
0x7b: {  	(drf) =	srem.u32 s11, s22;
	s31 =	spop (drf)  }
0x7c: {  	s11 =	spop (drf);
	(drf) =	srem.u32 s23, s16  }
0x7d: {  	v7 =	vbroadcast v7, $0xF;
	vm11 =	vcmask $0x3330;
	s19 =	spop (drf);
	(drf) =	srem.u32 s26, s9  }
0x7e: {  	vm0 =	vcmask $0x3734;
	v10 =	vsel vm15, $0xFFFFFFFF, v5;
	s20 =	rddreg [dreg:$0xe];
	v9 =	vsel vm11, s0, v9;
	s21 =	spop (drf)  }
0x7f: {  	v7 =	vadd.s32 v10, v7;
	s22 =	rddreg [dreg:$0xd];
	v9 =	vsel vm0, s2, v9;
	vm0 =	vcmask $0x3B38;
	s23 =	spop (drf)  }
0x80: {  	v7 =	vadd.s32 v8, v7;
	v8 =	vsel vm0, s29, v9;
	vm0 =	vlt.s32 v1, s6;
	s16 =	smul.u32 $0xF, s6;
	s4 =	spop (v2sf)  }
0x81: {  	vm1 =	vlt.s32 v1, s18;
	v55 =	vsel vm0, $0x1, v5;
	vm0 =	vge.s32 v1, s6;
	(drf) =	srem.u32 s1, s13;
	s7 =	spop (v2sf)  }
0x82: {  	vm2 =	vlt.s32 v1, s17;
	vm0 =	vmand vm0, vm1;
	(drf) =	srem.u32 s4, s20;
	s25 =	spop (v2sf)  }
0x83: {  	vm1 =	vge.s32 v1, s18;
	v56 =	vmov s11;
	v9 =	vsel vm0, $0x2, v55;
	(drf) =	srem.u32 s7, s22;
	s30 =	spop (v2sf)  }
0x84: {  	vm0 =	vmand vm1, vm2;
	vm1 =	vge.s32 v1, s17;
	v10 =	vsel vm3, s31, v56;
	(drf) =	srem.u32 s25, s24;
	s25 =	spop (drf)  }
0x85: {  	v9 =	vsel vm0, $0x4, v9;
	v10 =	vsel vm4, s19, v10;
	vm2 =	vlt.s32 v1, s16;
	s29 =	spop (drf)  }
0x86: {  	s26 =	rddreg [dreg:$0xb];
	vm0 =	vmand vm1, vm2;
	vm1 =	vge.s32 v1, s16;
	vm2 =	vlt.s32 v1, s15;
	s4 =	spop (drf)  }
0x87: {  	[tilespmem:$0x90] =	vst v5;
	s31 =	simm.s32 $0x80;
	v10 =	vsel vm5, s21, v10;
	v9 =	vsel vm0, $0x8, v9;
	vm0 =	vmand vm1, vm2;
	(drf) =	srem.u32 s30, s26;
	s10 =	spop (v2sf)  }
0x88: {  	[tilespmem:v7+s31+$0x0] =	vst.idx.msk vm15, v6;
	v10 =	vsel vm6, s23, v10;
	v7 =	vsel vm0, $0x10, v9;
	(drf) =	srem.u32 s10, s12;
	s30 =	spop (v2sf)  }
0x89: {  	vm3 =	vcmask $0x3734;
	v8 =	vld.idx.msk [tilespmem:v8+s31+$0x0], $0xffff;
	v57 =	vsel vm7, s25, v10;
	v58 =	vadd.s32 $0xFFFFFFFF, v7;
	(drf) =	srem.u32 s30, s14;
	s7 =	spop (v2sf)  }
0x8a: {  	vm1 =	vge.s32 v3, s6;
	v10 =	vmul.u32 s6, v58;
	v9 =	vsel vm8, s29, v57;
	s8 =	spop (drf);
	(drf) =	srem.u32 s7, s28  }
0x8b: {  	vm2 =	vlt.s32 v3, s18;
	v11 =	vmul.u32 s6, v7;
	v9 =	vsel vm9, s4, v9  }
0x8c: {  	vm0 =	vcmask $0x2320;
	v10 =	vsub.s32 v1, v10;
	s9 =	spop (drf);
	v9 =	vsel vm10, s8, v9  }
0x8d: {  	v59 =	vsub.s32 v2, v11;
	v9 =	vsel vm0, s9, v9;
	vm0 =	vlt.s32 v10, s6  }
0x8e: {  	v10 =	vsel vm0, v8, v59;
	vm0 =	veq.s32 v7, $0x0;
	v7 =	vcvt.s32.f32 v7;
	s10 =	spop (drf)  }
0x8f: {  	v10 =	vsel vm0, $0x0, v10;
	v8 =	vsel vm0, $0x0, v8;
	s11 =	spop (drf);
	v9 =	vsel vm12, s10, v9  }
0x90: {  	vm0 =	vlt.s32 v3, s6;
	v8 =	vcvt.s32.f32 v8;
	s12 =	spop (drf);
	v9 =	vsel vm13, s11, v9  }
0x91: {  	v60 =	vsel vm0, $0x1, v5;
	vm0 =	vmand vm1, vm2;
	v9 =	vsel vm14, s12, v9;
	s13 =	spop (drf)  }
0x92: {  	vm1 =	vlt.s32 v3, s17;
	vm2 =	vcmask $0x3B38;
	v9 =	vsel vm11, s13, v9;
	s14 =	spop (drf)  }
0x93: {  	v11 =	vsel vm0, $0x2, v60;
	vm0 =	vge.s32 v3, s18;
	v9 =	vsel vm3, s14, v9;
	s19 =	spop (drf)  }
0x94: {  	v10 =	vcvt.s32.f32 v10;
	vm0 =	vmand vm0, vm1;
	v9 =	vsel vm2, s19, v9  }
0x95: {  	vm1 =	vlt.s32 v3, s16;
	v11 =	vsel vm0, $0x4, v11;
	vm0 =	vge.s32 v3, s17  }
0x96: {  	[tilespmem:$0x200] =	vst v7;
	vm0 =	vmand vm0, vm1;
	vm1 =	vge.s32 v3, s16;
	vm2 =	vlt.s32 v3, s15  }
0x97: {  	[tilespmem:$0x100] =	vst v8;
	v8 =	vsel vm0, $0x8, v11;
	vm0 =	vmand vm1, vm2  }
0x98: {  	s5 =	simm.s32 $0x80;
	[tilespmem:$0x180] =	vst v10;
	v7 =	vsel vm0, $0x10, v8  }
0x99: {  	v61 =	vadd.s32 $0xFFFFFFFF, v7;
	v8 =	vld.idx.msk [tilespmem:v9+s5+$0x0], $0xffff  }
0x9a: {  	v9 =	vmul.u32 s6, v61  }
0x9b: {  	v62 =	vmul.u32 s6, v7  }
0x9c: {  	v9 =	vsub.s32 v3, v9  }
0x9d: {  	vm1 =	veq.s32 v7, $0x0;
	v63 =	vsub.s32 v4, v62;
	vm0 =	vlt.s32 v9, s6  }
0x9e: {  	v7 =	vcvt.s32.f32 v7;
	v9 =	vsel vm0, v8, v63;
	v8 =	vsel vm1, $0x0, v8  }
0x9f: {  	v9 =	vsel vm1, $0x0, v9;
	v8 =	vcvt.s32.f32 v8  }
0xa0: {  	[tilespmem:$0x210] =	vst v7;
	v9 =	vcvt.s32.f32 v9  }
0xa1: {  	s21 =	rddreg [dreg:$0x5];
	[tilespmem:$0x110] =	vst v8  }
0xa2: {  	s23 =	simm.s32 $0x1;
	s20 =	rddreg [dreg:$0x4];
	s22 =	simm.s32 $0x0;
	[tilespmem:$0x190] =	vst v9  }
0xa3: {  	[hbm4b:s20+s22] =	stream.linear.scatter [tilespmem:s21], [sflag:$0x1], $0x20, $0x38;
	[tilespmem:$0x280] =	vst v63  }
0xa4: {  	_ =	swait.ge [sflag:s23], $0x20  }
0xa5: {  	s24 =	rddreg [dreg:$0x6];
	[sflag:s23] =	ssyncset.done $0x0  }
0xa6: {  	s25 =	rddreg [dreg:$0x7];
	[sflag:s23] =	ssyncadd.s32 $0xFFFFFFE0  }
0xa7: {  	[hbm4b:s24+s22] =	stream.linear.scatter [tilespmem:s25], [sflag:$0x1], $0x20, $0x38;
	[tilespmem:$0x280] =	vst v63  }
0xa8: {  	_ =	swait.ge [sflag:s23], $0x20  }
0xa9: {  	s26 =	simm.s32 $0x0;
	s30 =	rddreg [dreg:$0xa]  }
0xaa: {  	s28 =	rddreg [dreg:$0x8];
	[sflag:s23] =	ssyncset.done $0x0;
	p0 =	sne.s32 s30, $0x1  }
.Ltmp0:
0xab: {  	s29 =	rddreg [dreg:$0x9];
	[sflag:s23] =	ssyncadd.s32 $0xFFFFFFE0;
	(pc) =	sbr.rel @p0 .LBB2_1-.Ltmp0, $4  }
0xac: {  	[hbm4b:s28+s26] =	stream.linear.scatter [tilespmem:s29], [sflag:$0x1], $0x20, $0x38;
	[tilespmem:$0x280] =	vst v63  }
0xad: {  	_ =	swait.ge [sflag:s23], $0x20  }
0xae: {  	s31 =	simm.s32 $0x1;
	[sflag:s23] =	ssyncset.done $0x0  }
0xaf: {  	s0 =	sadd.s32 $0xFFFFFFFF, s30;
	[sflag:s31] =	ssyncadd.s32 $0xFFFFFFE0  }
0xb0: {  	_ =	sfence.sel $0x180000  }
0xb1: {  	[bflag:$0x0] =	sbarrier.arrive $0xFFFF  }
0xb2: {  	_ =	strace $0x90000047  }
0xb3: {  	s0 =	stileid.u32;
	[bflag:$0x2] =	sbarrier.arrive $0xFFFF  }
0xb4: {  	p0 =	sne.s32 s0, $0x0;
	s0 =	rddreg [dreg:$0x2]  }
0xb5: {  	s0 =	sadd.s32 @!p0 $0x100000, s0  }
0xb6: {  	[sflag:s0] =	ssyncadd.tile.s32 @!p0 $0x1;
	_ =	shalt  }
.Lfunc_end2:
_tile_overlayer_lowered:
.L_overlay_start_2:
0xb7: {  	(tag) =	ssettag $0x2  }
0xb8: {  	s0 =	rddreg [dreg:$0x0];
	s2 =	stileid.u32  }
0xb9: {  	s1 =	rddreg [dreg:$0x1];
	p0 =	sne.s32 s2, $0x0  }
0xba: {  	s3 =	rddreg [dreg:$0x2];
	[bflag:$0x3] =	sbarrier.arrive $0xFFFF;
	s2 =	simm.s32 @!p0 $0x1C01  }
0xbb: {  	[timem:s3], [sflag:s2] =	dma.local @!p0 [hbm:s0], s1  }
0xbc: {  	s0 =	simm.s32 @!p0 $0x1  }
0xbd: {  	_ =	swait.ge @!p0 [sflag:s0], s1  }
0xbe: {  	s1 =	ssub.s32 @!p0 $0x0, s1;
	[sflag:s0] =	ssyncset.done @!p0 $0x0  }
0xbf: {  	[sflag:s0] =	ssyncadd.s32 @!p0 s1  }
0xc0: {  	[bflag:$0x3] =	sbarrier.arrive $0xFFFF  }
0xc1: {  	_ =	shalt  }

</sc_bundles>
